<compile_context>
chip_gen: v7x
topology: tpu7x:2x2x1
jax: 0.10.2.dev20260603
libtpu: 0.0.44.dev20260713+nightly
codegen_flags: <defaults>
</compile_context>

<pallas_src>
import functools

import jax
import jax.numpy as jnp
from jax import lax
from jax.experimental import pallas as pl
from jax.experimental.pallas import tpu as pltpu
from jax.experimental.pallas import tpu_sc as plsc

N_NODES = 50000
N_EDGES = 1600000
CUTOFF = 12.0
CUTOFF_SQ = CUTOFF * CUTOFF
INV_CSQ = 1.0 / CUTOFF_SQ
TWO_OVER_C = 2.0 / CUTOFF
INV_CSR = 1.0 / 2.0
KEHALF = 7.199822675975274

NW = 32
EDGES_PER_TILE = N_EDGES // NW
CHUNK = 2000
N_CHUNKS = EDGES_PER_TILE // CHUNK
STEPS = CHUNK // 16
ACC_ROWS = 392
ACC_N = ACC_ROWS * 128


def _tile_body(chg_hbm, dist_hbm, ii_hbm, jj_hbm, out_hbm,
               chg_v, acc_v, d0, d1, i0, i1, j0, j1, w_v, csem, sem0, sem1):
    wid = lax.axis_index("s") * 2 + lax.axis_index("c")

    ebase = wid * EDGES_PER_TILE
    dbufs, ibufs, jbufs = (d0, d1), (i0, i1), (j0, j1)
    sems = (sem0, sem1)

    def issue(c, b):
        off = ebase + c * CHUNK
        pltpu.async_copy(dist_hbm.at[pl.ds(off, CHUNK)], dbufs[b], sems[b])
        pltpu.async_copy(ii_hbm.at[pl.ds(off, CHUNK)], ibufs[b], sems[b])
        pltpu.async_copy(jj_hbm.at[pl.ds(off, CHUNK)], jbufs[b], sems[b])

    cp = pltpu.async_copy(chg_hbm, chg_v, csem)
    issue(0, 0)

    @plsc.parallel_loop(0, ACC_ROWS, step=1, unroll=4)
    def _zrow(i):
        for k in range(8):
            acc_v[i, pl.ds(k * 16, 16)] = jnp.zeros((16,), jnp.float32)
    cp.wait()

    def drain(b):
        pltpu.make_async_copy(dist_hbm.at[pl.ds(0, CHUNK)], dbufs[b], sems[b]).wait()
        pltpu.make_async_copy(ii_hbm.at[pl.ds(0, CHUNK)], ibufs[b], sems[b]).wait()
        pltpu.make_async_copy(jj_hbm.at[pl.ds(0, CHUNK)], jbufs[b], sems[b]).wait()

    def compute(b):
        d_v, i_v, j_v = dbufs[b], ibufs[b], jbufs[b]

        @plsc.parallel_loop(0, STEPS, step=1, unroll=4)
        def _calc(s):
            o = s * 16
            d = d_v[pl.ds(o, 16)]
            ii = i_v[pl.ds(o, 16)]
            jj = j_v[pl.ds(o, 16)]
            qi = plsc.load_gather(chg_v, [ii])
            qj = plsc.load_gather(chg_v, [jj])

            d2 = d * d
            sh = d2 + 1.0
            bits = plsc.bitcast(sh, jnp.int32)
            g = jnp.int32(0x5F3759DF) - lax.shift_right_logical(bits, 1)
            y = plsc.bitcast(g, jnp.float32)
            nh = sh * (-0.5)
            y = y * (1.5 + nh * y * y)
            ds = sh * y

            inv_d = 1.0 / d
            e_ord = inv_d + d * INV_CSQ - TWO_OVER_C
            e_shl = y + ds * INV_CSQ - TWO_OVER_C

            x = jnp.minimum(d * INV_CSR, 1.0)
            x2 = x * x
            x3 = x2 * x
            sw_off = 1.0 - x3 * (10.0 - 15.0 * x + 6.0 * x2)

            e = qi * qj * (e_ord + sw_off * (e_shl - e_ord))
            e = jnp.where(d <= CUTOFF, e, 0.0)
            w_v[pl.ds(o, 16)] = e

        def _scat(s, _c):
            o = s * 16
            ii = i_v[pl.ds(o, 16)]
            e = w_v[pl.ds(o, 16)]
            row = lax.shift_right_logical(ii, 7)
            col = jnp.bitwise_and(ii, 127)
            plsc.addupdate_scatter(acc_v, [row, col], e)
            return _c
        lax.fori_loop(0, STEPS, _scat, 0, unroll=8)

    issue(0, 0)

    def pair(p, carry):
        issue(2 * p + 1, 1)
        drain(0)
        compute(0)
        issue(2 * p + 2, 0)
        drain(1)
        compute(1)
        return carry
    lax.fori_loop(0, (N_CHUNKS - 1) // 2, pair, 0)
    drain(0)
    compute(0)

    pltpu.sync_copy(acc_v, out_hbm.at[wid])


_sc_partials = functools.partial(
    pl.kernel,
    out_type=jax.ShapeDtypeStruct((NW, ACC_ROWS, 128), jnp.float32),
    mesh=plsc.VectorSubcoreMesh(core_axis_name="c", subcore_axis_name="s"),
    compiler_params=pltpu.CompilerParams(
        needs_layout_passes=False, use_tc_tiling_on_sc=False),
    scratch_types=[
        pltpu.VMEM((N_NODES,), jnp.float32),
        pltpu.VMEM((ACC_ROWS, 128), jnp.float32),
        pltpu.VMEM((CHUNK,), jnp.float32),
        pltpu.VMEM((CHUNK,), jnp.float32),
        pltpu.VMEM((CHUNK,), jnp.int32),
        pltpu.VMEM((CHUNK,), jnp.int32),
        pltpu.VMEM((CHUNK,), jnp.int32),
        pltpu.VMEM((CHUNK,), jnp.int32),
        pltpu.VMEM((CHUNK,), jnp.float32),
        pltpu.SemaphoreType.DMA,
        pltpu.SemaphoreType.DMA,
        pltpu.SemaphoreType.DMA,
    ],
)(_tile_body)


def _reduce_body(p_ref, o_ref):
    o_ref[...] = KEHALF * jnp.sum(p_ref[...], axis=0)


def kernel(atomic_charges, distances, idx_i, idx_j):
    partials = _sc_partials(atomic_charges, distances, idx_i, idx_j)
    out = pl.pallas_call(
        _reduce_body,
        out_shape=jax.ShapeDtypeStruct((ACC_ROWS, 128), jnp.float32),
    )(partials)
    return out.reshape(-1)[:N_NODES]

# --- scband reference (transcript-rebuilt; emitter-appended) ---
"""Pipeline reference for scband-pc-shielded-electrostatics-41472204210979 (READ-ONLY COPY).

The authoritative reference and input builder live on the scoring server;
editing this copy changes nothing except your own understanding.
"""

import jax, jax.numpy as jnp
import numpy as np

N_NODES = 50000
N_EDGES = 1600000
CUTOFF = 12.0
CUTOFF_SR = 2.0
CUTOFF_SQ = CUTOFF ** 2
KEHALF = 7.199822675975274


def poly6_switch(d, cutoff):
    # Poly6 smooth switch-off function: 1 at d=0, 0 at d>=cutoff, C2-continuous
    x = jnp.clip(d / cutoff, 0.0, 1.0)
    return 1.0 - 6.0 * x ** 5 + 15.0 * x ** 4 - 10.0 * x ** 3


def setup_inputs(seed: int = 0) -> dict:
    key = jax.random.key(seed)
    k1, k2, k3, k4 = jax.random.split(key, 4)
    atomic_charges = jax.random.normal(k1, (N_NODES,), dtype=jnp.float32) * 0.5
    # positive pair distances spanning inside and slightly beyond the cutoff
    distances = jax.random.uniform(k2, (N_EDGES,), dtype=jnp.float32) * (CUTOFF * 1.1) + 0.05
    idx_i = jax.random.randint(k3, (N_EDGES,), 0, N_NODES, dtype=jnp.int32)
    idx_j = jax.random.randint(k4, (N_EDGES,), 0, N_NODES, dtype=jnp.int32)
    return {"atomic_charges": atomic_charges, "distances": distances, "idx_i": idx_i, "idx_j": idx_j}


def reference(atomic_charges, distances, idx_i, idx_j):
    qi = jnp.take(atomic_charges, idx_i, axis=0)
    qj = jnp.take(atomic_charges, idx_j, axis=0)
    distances_shielded = jnp.sqrt(distances ** 2 + 1.0)
    switch_off = poly6_switch(distances, CUTOFF_SR)
    switch_on = 1.0 - switch_off
    # split_distance branch (cutoff != cutoff_short_range)
    E_ordinary = 1.0 / distances + distances / CUTOFF_SQ - 2.0 / CUTOFF
    E_shielded = 1.0 / distances_shielded + distances_shielded / CUTOFF_SQ - 2.0 / CUTOFF
    E = KEHALF * qi * qj * (switch_off * E_shielded + switch_on * E_ordinary)
    E = jnp.where(distances <= CUTOFF, E, jnp.zeros_like(E))
    return jax.ops.segment_sum(E, idx_i, num_segments=N_NODES)

if __name__ == "__main__":
    import jax
    _d = setup_inputs()
    print(jax.jit(kernel)(*tuple(_d.values())))

</pallas_src>

<mosaic_0001>
#map = affine_map<(d0, d1) -> (0)>
#map1 = affine_map<(d0, d1) -> (0, 0, 0)>
module attributes {stable_mosaic.version = 14 : i64} {
  func.func @_tile_body(%arg0: i32, %arg1: i32, %arg2: memref<50000xf32, #tpu.memory_space<hbm>>, %arg3: memref<1600000xf32, #tpu.memory_space<hbm>>, %arg4: memref<1600000xi32, #tpu.memory_space<hbm>>, %arg5: memref<1600000xi32, #tpu.memory_space<hbm>>, %arg6: memref<32x392x128xf32, #tpu.memory_space<hbm>>, %arg7: memref<50000xf32, #tpu.memory_space<vmem>>, %arg8: memref<392x128xf32, #tpu.memory_space<vmem>>, %arg9: memref<2000xf32, #tpu.memory_space<vmem>>, %arg10: memref<2000xf32, #tpu.memory_space<vmem>>, %arg11: memref<2000xi32, #tpu.memory_space<vmem>>, %arg12: memref<2000xi32, #tpu.memory_space<vmem>>, %arg13: memref<2000xi32, #tpu.memory_space<vmem>>, %arg14: memref<2000xi32, #tpu.memory_space<vmem>>, %arg15: memref<2000xf32, #tpu.memory_space<vmem>>, %arg16: memref<!tpu.dma_semaphore, #tpu.memory_space<semaphore_mem>>, %arg17: memref<!tpu.dma_semaphore, #tpu.memory_space<semaphore_mem>>, %arg18: memref<!tpu.dma_semaphore, #tpu.memory_space<semaphore_mem>>) attributes {dimension_semantics = [#tpu.dimension_semantics<core_parallel>, #tpu.dimension_semantics<subcore_parallel>], iteration_bounds = array<i64: 2, 16>, scalar_prefetch = 0 : i64, scratch_operands = 12 : i64, tpu.core_type = #tpu.core_type<sc_vector_subcore>, window_params = [{transform_indices = #map}, {transform_indices = #map}, {transform_indices = #map}, {transform_indices = #map}, {transform_indices = #map1}]} {
    %mul3A = arith.constant 2 : i32
    %mul3A_0 = arith.muli %arg1, %mul3A : i32
    %add3A = arith.addi %mul3A_0, %arg0 : i32
    %mul3A_1 = arith.constant 50000 : i32
    %mul3A_2 = arith.muli %add3A, %mul3A_1 : i32
    tpu.enqueue_dma source(%arg2 : memref<50000xf32, #tpu.memory_space<hbm>>) target(%arg7 : memref<50000xf32, #tpu.memory_space<vmem>>) target_semaphore(%arg16 : memref<!tpu.dma_semaphore, #tpu.memory_space<semaphore_mem>>)
    %add3A_3 = arith.constant 0 : i32
    %add3A_4 = arith.addi %mul3A_2, %add3A_3 : i32
    %dma_start3A = tpu.memref_slice %arg3[%add3A_4] : memref<1600000xf32, #tpu.memory_space<hbm>> -> memref<2000xf32, #tpu.memory_space<hbm>>
    %dma_start3A_5 = tpu.memref_slice %arg3[%add3A_4] : memref<1600000xf32, #tpu.memory_space<hbm>> -> memref<2000xf32, #tpu.memory_space<hbm>>
    tpu.enqueue_dma source(%dma_start3A_5 : memref<2000xf32, #tpu.memory_space<hbm>>) target(%arg9 : memref<2000xf32, #tpu.memory_space<vmem>>) target_semaphore(%arg17 : memref<!tpu.dma_semaphore, #tpu.memory_space<semaphore_mem>>)
    %dma_start3A_6 = tpu.memref_slice %arg4[%add3A_4] : memref<1600000xi32, #tpu.memory_space<hbm>> -> memref<2000xi32, #tpu.memory_space<hbm>>
    %dma_start3A_7 = tpu.memref_slice %arg4[%add3A_4] : memref<1600000xi32, #tpu.memory_space<hbm>> -> memref<2000xi32, #tpu.memory_space<hbm>>
    tpu.enqueue_dma source(%dma_start3A_7 : memref<2000xi32, #tpu.memory_space<hbm>>) target(%arg11 : memref<2000xi32, #tpu.memory_space<vmem>>) target_semaphore(%arg17 : memref<!tpu.dma_semaphore, #tpu.memory_space<semaphore_mem>>)
    %dma_start3A_8 = tpu.memref_slice %arg5[%add3A_4] : memref<1600000xi32, #tpu.memory_space<hbm>> -> memref<2000xi32, #tpu.memory_space<hbm>>
    %dma_start3A_9 = tpu.memref_slice %arg5[%add3A_4] : memref<1600000xi32, #tpu.memory_space<hbm>> -> memref<2000xi32, #tpu.memory_space<hbm>>
    tpu.enqueue_dma source(%dma_start3A_9 : memref<2000xi32, #tpu.memory_space<hbm>>) target(%arg13 : memref<2000xi32, #tpu.memory_space<vmem>>) target_semaphore(%arg17 : memref<!tpu.dma_semaphore, #tpu.memory_space<semaphore_mem>>)
    %parallel_loop3A = arith.constant 0 : i32
    %parallel_loop3A_10 = arith.constant 392 : i32
    %parallel_loop3A_11 = arith.constant 1 : i32
    scf.for %parallel_loop3A_112 = %parallel_loop3A to %parallel_loop3A_10 step %parallel_loop3A_11  : i32 {
      %parallel_loop3A_113 = arith.constant 0.000000e+00 : f32
      %parallel_loop3A_114 = vector.broadcast %parallel_loop3A_113 : f32 to vector<16xf32>
      %parallel_loop3A_115 = arith.index_cast %parallel_loop3A_112 : i32 to index
      %parallel_loop3A_116 = arith.constant 0 : index
      %parallel_loop3A_117 = tpu.vector_load %arg8[%parallel_loop3A_115, %parallel_loop3A_116] {strides = array<i32>} : memref<392x128xf32, #tpu.memory_space<vmem>>, vector<16xf32>,
      tpu.vector_store %arg8[%parallel_loop3A_115, %parallel_loop3A_116], %parallel_loop3A_114 {strides = array<i32>} : memref<392x128xf32, #tpu.memory_space<vmem>>, vector<16xf32>,
      %parallel_loop3A_118 = arith.constant 0.000000e+00 : f32
      %parallel_loop3A_119 = vector.broadcast %parallel_loop3A_118 : f32 to vector<16xf32>
      %parallel_loop3A_120 = arith.index_cast %parallel_loop3A_112 : i32 to index
      %parallel_loop3A_121 = arith.constant 16 : index
      %parallel_loop3A_122 = tpu.vector_load %arg8[%parallel_loop3A_120, %parallel_loop3A_121] {strides = array<i32>} : memref<392x128xf32, #tpu.memory_space<vmem>>, vector<16xf32>,
      tpu.vector_store %arg8[%parallel_loop3A_120, %parallel_loop3A_121], %parallel_loop3A_119 {strides = array<i32>} : memref<392x128xf32, #tpu.memory_space<vmem>>, vector<16xf32>,
      %parallel_loop3A_123 = arith.constant 0.000000e+00 : f32
      %parallel_loop3A_124 = vector.broadcast %parallel_loop3A_123 : f32 to vector<16xf32>
      %parallel_loop3A_125 = arith.index_cast %parallel_loop3A_112 : i32 to index
      %parallel_loop3A_126 = arith.constant 32 : index
      %parallel_loop3A_127 = tpu.vector_load %arg8[%parallel_loop3A_125, %parallel_loop3A_126] {strides = array<i32>} : memref<392x128xf32, #tpu.memory_space<vmem>>, vector<16xf32>,
      tpu.vector_store %arg8[%parallel_loop3A_125, %parallel_loop3A_126], %parallel_loop3A_124 {strides = array<i32>} : memref<392x128xf32, #tpu.memory_space<vmem>>, vector<16xf32>,
      %parallel_loop3A_128 = arith.constant 0.000000e+00 : f32
      %parallel_loop3A_129 = vector.broadcast %parallel_loop3A_128 : f32 to vector<16xf32>
      %parallel_loop3A_130 = arith.index_cast %parallel_loop3A_112 : i32 to index
      %parallel_loop3A_131 = arith.constant 48 : index
      %parallel_loop3A_132 = tpu.vector_load %arg8[%parallel_loop3A_130, %parallel_loop3A_131] {strides = array<i32>} : memref<392x128xf32, #tpu.memory_space<vmem>>, vector<16xf32>,
      tpu.vector_store %arg8[%parallel_loop3A_130, %parallel_loop3A_131], %parallel_loop3A_129 {strides = array<i32>} : memref<392x128xf32, #tpu.memory_space<vmem>>, vector<16xf32>,
      %parallel_loop3A_133 = arith.constant 0.000000e+00 : f32
      %parallel_loop3A_134 = vector.broadcast %parallel_loop3A_133 : f32 to vector<16xf32>
      %parallel_loop3A_135 = arith.index_cast %parallel_loop3A_112 : i32 to index
      %parallel_loop3A_136 = arith.constant 64 : index
      %parallel_loop3A_137 = tpu.vector_load %arg8[%parallel_loop3A_135, %parallel_loop3A_136] {strides = array<i32>} : memref<392x128xf32, #tpu.memory_space<vmem>>, vector<16xf32>,
      tpu.vector_store %arg8[%parallel_loop3A_135, %parallel_loop3A_136], %parallel_loop3A_134 {strides = array<i32>} : memref<392x128xf32, #tpu.memory_space<vmem>>, vector<16xf32>,
      %parallel_loop3A_138 = arith.constant 0.000000e+00 : f32
      %parallel_loop3A_139 = vector.broadcast %parallel_loop3A_138 : f32 to vector<16xf32>
      %parallel_loop3A_140 = arith.index_cast %parallel_loop3A_112 : i32 to index
      %parallel_loop3A_141 = arith.constant 80 : index
      %parallel_loop3A_142 = tpu.vector_load %arg8[%parallel_loop3A_140, %parallel_loop3A_141] {strides = array<i32>} : memref<392x128xf32, #tpu.memory_space<vmem>>, vector<16xf32>,
      tpu.vector_store %arg8[%parallel_loop3A_140, %parallel_loop3A_141], %parallel_loop3A_139 {strides = array<i32>} : memref<392x128xf32, #tpu.memory_space<vmem>>, vector<16xf32>,
      %parallel_loop3A_143 = arith.constant 0.000000e+00 : f32
      %parallel_loop3A_144 = vector.broadcast %parallel_loop3A_143 : f32 to vector<16xf32>
      %parallel_loop3A_145 = arith.index_cast %parallel_loop3A_112 : i32 to index
      %parallel_loop3A_146 = arith.constant 96 : index
      %parallel_loop3A_147 = tpu.vector_load %arg8[%parallel_loop3A_145, %parallel_loop3A_146] {strides = array<i32>} : memref<392x128xf32, #tpu.memory_space<vmem>>, vector<16xf32>,
      tpu.vector_store %arg8[%parallel_loop3A_145, %parallel_loop3A_146], %parallel_loop3A_144 {strides = array<i32>} : memref<392x128xf32, #tpu.memory_space<vmem>>, vector<16xf32>,
      %parallel_loop3A_148 = arith.constant 0.000000e+00 : f32
      %parallel_loop3A_149 = vector.broadcast %parallel_loop3A_148 : f32 to vector<16xf32>
      %parallel_loop3A_150 = arith.index_cast %parallel_loop3A_112 : i32 to index
      %parallel_loop3A_151 = arith.constant 112 : index
      %parallel_loop3A_152 = tpu.vector_load %arg8[%parallel_loop3A_150, %parallel_loop3A_151] {strides = array<i32>} : memref<392x128xf32, #tpu.memory_space<vmem>>, vector<16xf32>,
      tpu.vector_store %arg8[%parallel_loop3A_150, %parallel_loop3A_151], %parallel_loop3A_149 {strides = array<i32>} : memref<392x128xf32, #tpu.memory_space<vmem>>, vector<16xf32>,
    } {sc.loop_unroll_factor = 4 : i64, sc.parallel_access}
    tpu.wait_dma2 semaphore(%arg16 : memref<!tpu.dma_semaphore, #tpu.memory_space<semaphore_mem>>) src(%arg2 : memref<50000xf32, #tpu.memory_space<hbm>>) dst(%arg7 : memref<50000xf32, #tpu.memory_space<vmem>>)
    %add3A_12 = arith.constant 0 : i32
    %add3A_13 = arith.addi %mul3A_2, %add3A_12 : i32
    %dma_start3A_14 = tpu.memref_slice %arg3[%add3A_13] : memref<1600000xf32, #tpu.memory_space<hbm>> -> memref<2000xf32, #tpu.memory_space<hbm>>
    %dma_start3A_15 = tpu.memref_slice %arg3[%add3A_13] : memref<1600000xf32, #tpu.memory_space<hbm>> -> memref<2000xf32, #tpu.memory_space<hbm>>
    tpu.enqueue_dma source(%dma_start3A_15 : memref<2000xf32, #tpu.memory_space<hbm>>) target(%arg9 : memref<2000xf32, #tpu.memory_space<vmem>>) target_semaphore(%arg17 : memref<!tpu.dma_semaphore, #tpu.memory_space<semaphore_mem>>)
    %dma_start3A_16 = tpu.memref_slice %arg4[%add3A_13] : memref<1600000xi32, #tpu.memory_space<hbm>> -> memref<2000xi32, #tpu.memory_space<hbm>>
    %dma_start3A_17 = tpu.memref_slice %arg4[%add3A_13] : memref<1600000xi32, #tpu.memory_space<hbm>> -> memref<2000xi32, #tpu.memory_space<hbm>>
    tpu.enqueue_dma source(%dma_start3A_17 : memref<2000xi32, #tpu.memory_space<hbm>>) target(%arg11 : memref<2000xi32, #tpu.memory_space<vmem>>) target_semaphore(%arg17 : memref<!tpu.dma_semaphore, #tpu.memory_space<semaphore_mem>>)
    %dma_start3A_18 = tpu.memref_slice %arg5[%add3A_13] : memref<1600000xi32, #tpu.memory_space<hbm>> -> memref<2000xi32, #tpu.memory_space<hbm>>
    %dma_start3A_19 = tpu.memref_slice %arg5[%add3A_13] : memref<1600000xi32, #tpu.memory_space<hbm>> -> memref<2000xi32, #tpu.memory_space<hbm>>
    tpu.enqueue_dma source(%dma_start3A_19 : memref<2000xi32, #tpu.memory_space<hbm>>) target(%arg13 : memref<2000xi32, #tpu.memory_space<vmem>>) target_semaphore(%arg17 : memref<!tpu.dma_semaphore, #tpu.memory_space<semaphore_mem>>)
    %scan3A = arith.constant 0 : i32
    %scan3A_20 = arith.constant 0 : i32
    %scan3A_21 = arith.constant 12 : i32
    %scan3A_22 = arith.addi %scan3A_20, %scan3A_21 : i32
    %scan3A_23 = arith.constant 1 : i32
    scf.for %scan3A_112 = %scan3A_20 to %scan3A_22 step %scan3A_23  : i32 {
      %mul3A_113 = arith.constant 2 : i32
      %mul3A_114 = arith.muli %mul3A_113, %scan3A_112 : i32
      %add3A_115 = arith.constant 1 : i32
      %add3A_116 = arith.addi %mul3A_114, %add3A_115 : i32
      %mul3A_117 = arith.constant 2000 : i32
      %mul3A_118 = arith.muli %add3A_116, %mul3A_117 : i32
      %add3A_119 = arith.addi %mul3A_2, %mul3A_118 : i32
      %dma_start3A_120 = tpu.memref_slice %arg3[%add3A_119] : memref<1600000xf32, #tpu.memory_space<hbm>> -> memref<2000xf32, #tpu.memory_space<hbm>>
      %dma_start3A_121 = tpu.memref_slice %arg3[%add3A_119] : memref<1600000xf32, #tpu.memory_space<hbm>> -> memref<2000xf32, #tpu.memory_space<hbm>>
      tpu.enqueue_dma source(%dma_start3A_121 : memref<2000xf32, #tpu.memory_space<hbm>>) target(%arg10 : memref<2000xf32, #tpu.memory_space<vmem>>) target_semaphore(%arg18 : memref<!tpu.dma_semaphore, #tpu.memory_space<semaphore_mem>>)
      %dma_start3A_122 = tpu.memref_slice %arg4[%add3A_119] : memref<1600000xi32, #tpu.memory_space<hbm>> -> memref<2000xi32, #tpu.memory_space<hbm>>
      %dma_start3A_123 = tpu.memref_slice %arg4[%add3A_119] : memref<1600000xi32, #tpu.memory_space<hbm>> -> memref<2000xi32, #tpu.memory_space<hbm>>
      tpu.enqueue_dma source(%dma_start3A_123 : memref<2000xi32, #tpu.memory_space<hbm>>) target(%arg12 : memref<2000xi32, #tpu.memory_space<vmem>>) target_semaphore(%arg18 : memref<!tpu.dma_semaphore, #tpu.memory_space<semaphore_mem>>)
      %dma_start3A_124 = tpu.memref_slice %arg5[%add3A_119] : memref<1600000xi32, #tpu.memory_space<hbm>> -> memref<2000xi32, #tpu.memory_space<hbm>>
      %dma_start3A_125 = tpu.memref_slice %arg5[%add3A_119] : memref<1600000xi32, #tpu.memory_space<hbm>> -> memref<2000xi32, #tpu.memory_space<hbm>>
      tpu.enqueue_dma source(%dma_start3A_125 : memref<2000xi32, #tpu.memory_space<hbm>>) target(%arg14 : memref<2000xi32, #tpu.memory_space<vmem>>) target_semaphore(%arg18 : memref<!tpu.dma_semaphore, #tpu.memory_space<semaphore_mem>>)
      %dma_wait3A_126 = arith.constant 0 : i32
      %dma_wait3A_127 = tpu.memref_slice %arg3[%dma_wait3A_126] : memref<1600000xf32, #tpu.memory_space<hbm>> -> memref<2000xf32, #tpu.memory_space<hbm>>
      %dma_wait3A_128 = arith.constant 0 : i32
      %dma_wait3A_129 = tpu.memref_slice %arg3[%dma_wait3A_128] : memref<1600000xf32, #tpu.memory_space<hbm>> -> memref<2000xf32, #tpu.memory_space<hbm>>
      tpu.wait_dma2 semaphore(%arg17 : memref<!tpu.dma_semaphore, #tpu.memory_space<semaphore_mem>>) src(%dma_wait3A_129 : memref<2000xf32, #tpu.memory_space<hbm>>) dst(%arg9 : memref<2000xf32, #tpu.memory_space<vmem>>)
      %dma_wait3A_130 = arith.constant 0 : i32
      %dma_wait3A_131 = tpu.memref_slice %arg4[%dma_wait3A_130] : memref<1600000xi32, #tpu.memory_space<hbm>> -> memref<2000xi32, #tpu.memory_space<hbm>>
      %dma_wait3A_132 = arith.constant 0 : i32
      %dma_wait3A_133 = tpu.memref_slice %arg4[%dma_wait3A_132] : memref<1600000xi32, #tpu.memory_space<hbm>> -> memref<2000xi32, #tpu.memory_space<hbm>>
      tpu.wait_dma2 semaphore(%arg17 : memref<!tpu.dma_semaphore, #tpu.memory_space<semaphore_mem>>) src(%dma_wait3A_133 : memref<2000xi32, #tpu.memory_space<hbm>>) dst(%arg11 : memref<2000xi32, #tpu.memory_space<vmem>>)
      %dma_wait3A_134 = arith.constant 0 : i32
      %dma_wait3A_135 = tpu.memref_slice %arg5[%dma_wait3A_134] : memref<1600000xi32, #tpu.memory_space<hbm>> -> memref<2000xi32, #tpu.memory_space<hbm>>
      %dma_wait3A_136 = arith.constant 0 : i32
      %dma_wait3A_137 = tpu.memref_slice %arg5[%dma_wait3A_136] : memref<1600000xi32, #tpu.memory_space<hbm>> -> memref<2000xi32, #tpu.memory_space<hbm>>
      tpu.wait_dma2 semaphore(%arg17 : memref<!tpu.dma_semaphore, #tpu.memory_space<semaphore_mem>>) src(%dma_wait3A_137 : memref<2000xi32, #tpu.memory_space<hbm>>) dst(%arg13 : memref<2000xi32, #tpu.memory_space<vmem>>)
      %parallel_loop3A_138 = arith.constant 0 : i32
      %parallel_loop3A_139 = arith.constant 125 : i32
      %parallel_loop3A_140 = arith.constant 1 : i32
      scf.for %parallel_loop3A_321 = %parallel_loop3A_138 to %parallel_loop3A_139 step %parallel_loop3A_140  : i32 {
        %parallel_loop3A_322 = arith.constant 16 : i32
        %parallel_loop3A_323 = arith.muli %parallel_loop3A_321, %parallel_loop3A_322 : i32
        %parallel_loop3A_324 = arith.index_cast %parallel_loop3A_323 : i32 to index
        %parallel_loop3A_325 = tpu.vector_load %arg9[%parallel_loop3A_324] {strides = array<i32>} : memref<2000xf32, #tpu.memory_space<vmem>>, vector<16xf32>,
        %parallel_loop3A_326 = arith.index_cast %parallel_loop3A_323 : i32 to index
        %parallel_loop3A_327 = tpu.vector_load %arg11[%parallel_loop3A_326] {strides = array<i32>} : memref<2000xi32, #tpu.memory_space<vmem>>, vector<16xi32>,
        %parallel_loop3A_328 = arith.index_cast %parallel_loop3A_323 : i32 to index
        %parallel_loop3A_329 = tpu.vector_load %arg13[%parallel_loop3A_328] {strides = array<i32>} : memref<2000xi32, #tpu.memory_space<vmem>>, vector<16xi32>,
        %parallel_loop3A_330 = tpu.vector_load_idx %arg7[%parallel_loop3A_327] : memref<50000xf32, #tpu.memory_space<vmem>>[vector<16xi32>], vector<16xf32>,
        %parallel_loop3A_331 = tpu.vector_load_idx %arg7[%parallel_loop3A_329] : memref<50000xf32, #tpu.memory_space<vmem>>[vector<16xi32>], vector<16xf32>,
        %parallel_loop3A_332 = arith.mulf %parallel_loop3A_325, %parallel_loop3A_325 : vector<16xf32>
        %parallel_loop3A_333 = arith.constant 1.000000e+00 : f32
        %parallel_loop3A_334 = vector.broadcast %parallel_loop3A_333 : f32 to vector<16xf32>
        %parallel_loop3A_335 = arith.addf %parallel_loop3A_332, %parallel_loop3A_334 : vector<16xf32>
        %parallel_loop3A_336 = vector.bitcast %parallel_loop3A_335 : vector<16xf32> to vector<16xi32>
        %parallel_loop3A_337 = arith.constant 1 : i32
        %parallel_loop3A_338 = vector.broadcast %parallel_loop3A_337 : i32 to vector<16xi32>
        %parallel_loop3A_339 = arith.shrui %parallel_loop3A_336, %parallel_loop3A_338 : vector<16xi32>
        %parallel_loop3A_340 = arith.constant 1597463007 : i32
        %parallel_loop3A_341 = vector.broadcast %parallel_loop3A_340 : i32 to vector<16xi32>
        %parallel_loop3A_342 = arith.subi %parallel_loop3A_341, %parallel_loop3A_339 : vector<16xi32>
        %parallel_loop3A_343 = vector.bitcast %parallel_loop3A_342 : vector<16xi32> to vector<16xf32>
        %parallel_loop3A_344 = arith.constant -5.000000e-01 : f32
        %parallel_loop3A_345 = vector.broadcast %parallel_loop3A_344 : f32 to vector<16xf32>
        %parallel_loop3A_346 = arith.mulf %parallel_loop3A_335, %parallel_loop3A_345 : vector<16xf32>
        %parallel_loop3A_347 = arith.mulf %parallel_loop3A_346, %parallel_loop3A_343 : vector<16xf32>
        %parallel_loop3A_348 = arith.mulf %parallel_loop3A_347, %parallel_loop3A_343 : vector<16xf32>
        %parallel_loop3A_349 = arith.constant 1.500000e+00 : f32
        %parallel_loop3A_350 = vector.broadcast %parallel_loop3A_349 : f32 to vector<16xf32>
        %parallel_loop3A_351 = arith.addf %parallel_loop3A_350, %parallel_loop3A_348 : vector<16xf32>
        %parallel_loop3A_352 = arith.mulf %parallel_loop3A_343, %parallel_loop3A_351 : vector<16xf32>
        %parallel_loop3A_353 = arith.mulf %parallel_loop3A_335, %parallel_loop3A_352 : vector<16xf32>
        %parallel_loop3A_354 = arith.constant 1.000000e+00 : f32
        %parallel_loop3A_355 = vector.broadcast %parallel_loop3A_354 : f32 to vector<16xf32>
        %parallel_loop3A_356 = arith.divf %parallel_loop3A_355, %parallel_loop3A_325 : vector<16xf32>
        %parallel_loop3A_357 = arith.constant 0.0069444445 : f32
        %parallel_loop3A_358 = vector.broadcast %parallel_loop3A_357 : f32 to vector<16xf32>
        %parallel_loop3A_359 = arith.mulf %parallel_loop3A_325, %parallel_loop3A_358 : vector<16xf32>
        %parallel_loop3A_360 = arith.addf %parallel_loop3A_356, %parallel_loop3A_359 : vector<16xf32>
        %parallel_loop3A_361 = arith.constant 0.166666672 : f32
        %parallel_loop3A_362 = vector.broadcast %parallel_loop3A_361 : f32 to vector<16xf32>
        %parallel_loop3A_363 = arith.subf %parallel_loop3A_360, %parallel_loop3A_362 : vector<16xf32>
        %parallel_loop3A_364 = arith.constant 0.0069444445 : f32
        %parallel_loop3A_365 = vector.broadcast %parallel_loop3A_364 : f32 to vector<16xf32>
        %parallel_loop3A_366 = arith.mulf %parallel_loop3A_353, %parallel_loop3A_365 : vector<16xf32>
        %parallel_loop3A_367 = arith.addf %parallel_loop3A_352, %parallel_loop3A_366 : vector<16xf32>
        %parallel_loop3A_368 = arith.constant 0.166666672 : f32
        %parallel_loop3A_369 = vector.broadcast %parallel_loop3A_368 : f32 to vector<16xf32>
        %parallel_loop3A_370 = arith.subf %parallel_loop3A_367, %parallel_loop3A_369 : vector<16xf32>
        %parallel_loop3A_371 = arith.constant 5.000000e-01 : f32
        %parallel_loop3A_372 = vector.broadcast %parallel_loop3A_371 : f32 to vector<16xf32>
        %parallel_loop3A_373 = arith.mulf %parallel_loop3A_325, %parallel_loop3A_372 : vector<16xf32>
        %parallel_loop3A_374 = arith.constant 1.000000e+00 : f32
        %parallel_loop3A_375 = vector.broadcast %parallel_loop3A_374 : f32 to vector<16xf32>
        %parallel_loop3A_376 = arith.minimumf %parallel_loop3A_373, %parallel_loop3A_375 : vector<16xf32>
        %parallel_loop3A_377 = arith.mulf %parallel_loop3A_376, %parallel_loop3A_376 : vector<16xf32>
        %parallel_loop3A_378 = arith.mulf %parallel_loop3A_377, %parallel_loop3A_376 : vector<16xf32>
        %parallel_loop3A_379 = arith.constant 1.500000e+01 : f32
        %parallel_loop3A_380 = vector.broadcast %parallel_loop3A_379 : f32 to vector<16xf32>
        %parallel_loop3A_381 = arith.mulf %parallel_loop3A_380, %parallel_loop3A_376 : vector<16xf32>
        %parallel_loop3A_382 = arith.constant 1.000000e+01 : f32
        %parallel_loop3A_383 = vector.broadcast %parallel_loop3A_382 : f32 to vector<16xf32>
        %parallel_loop3A_384 = arith.subf %parallel_loop3A_383, %parallel_loop3A_381 : vector<16xf32>
        %parallel_loop3A_385 = arith.constant 6.000000e+00 : f32
        %parallel_loop3A_386 = vector.broadcast %parallel_loop3A_385 : f32 to vector<16xf32>
        %parallel_loop3A_387 = arith.mulf %parallel_loop3A_386, %parallel_loop3A_377 : vector<16xf32>
        %parallel_loop3A_388 = arith.addf %parallel_loop3A_384, %parallel_loop3A_387 : vector<16xf32>
        %parallel_loop3A_389 = arith.mulf %parallel_loop3A_378, %parallel_loop3A_388 : vector<16xf32>
        %parallel_loop3A_390 = arith.constant 1.000000e+00 : f32
        %parallel_loop3A_391 = vector.broadcast %parallel_loop3A_390 : f32 to vector<16xf32>
        %parallel_loop3A_392 = arith.subf %parallel_loop3A_391, %parallel_loop3A_389 : vector<16xf32>
        %parallel_loop3A_393 = arith.mulf %parallel_loop3A_330, %parallel_loop3A_331 : vector<16xf32>
        %parallel_loop3A_394 = arith.subf %parallel_loop3A_370, %parallel_loop3A_363 : vector<16xf32>
        %parallel_loop3A_395 = arith.mulf %parallel_loop3A_392, %parallel_loop3A_394 : vector<16xf32>
        %parallel_loop3A_396 = arith.addf %parallel_loop3A_363, %parallel_loop3A_395 : vector<16xf32>
        %parallel_loop3A_397 = arith.mulf %parallel_loop3A_393, %parallel_loop3A_396 : vector<16xf32>
        %parallel_loop3A_398 = arith.constant 1.200000e+01 : f32
        %parallel_loop3A_399 = vector.broadcast %parallel_loop3A_398 : f32 to vector<16xf32>
        %parallel_loop3A_400 = arith.cmpf ole, %parallel_loop3A_325, %parallel_loop3A_399 : vector<16xf32>
        %parallel_loop3A_401 = arith.constant 0.000000e+00 : f32
        %parallel_loop3A_402 = vector.broadcast %parallel_loop3A_401 : f32 to vector<16xf32>
        %parallel_loop3A_403 = arith.select %parallel_loop3A_400, %parallel_loop3A_397, %parallel_loop3A_402 : vector<16xi1>, vector<16xf32>
        %parallel_loop3A_404 = arith.index_cast %parallel_loop3A_323 : i32 to index
        %parallel_loop3A_405 = tpu.vector_load %arg15[%parallel_loop3A_404] {strides = array<i32>} : memref<2000xf32, #tpu.memory_space<vmem>>, vector<16xf32>,
        tpu.vector_store %arg15[%parallel_loop3A_404], %parallel_loop3A_403 {strides = array<i32>} : memref<2000xf32, #tpu.memory_space<vmem>>, vector<16xf32>,
      } {sc.loop_unroll_factor = 4 : i64, sc.parallel_access}
      %scan3A_141 = arith.constant 0 : i32
      %scan3A_142 = arith.constant 0 : i32
      %scan3A_143 = arith.constant 120 : i32
      %scan3A_144 = arith.addi %scan3A_142, %scan3A_143 : i32
      %scan3A_145 = arith.constant 8 : i32
      scf.for %scan3A_321 = %scan3A_142 to %scan3A_144 step %scan3A_145  : i32 {
        %mul3A_322 = arith.constant 16 : i32
        %mul3A_323 = arith.muli %scan3A_321, %mul3A_322 : i32
        %get3A_324 = arith.index_cast %mul3A_323 : i32 to index
        %get3A_325 = tpu.vector_load %arg11[%get3A_324] {strides = array<i32>} : memref<2000xi32, #tpu.memory_space<vmem>>, vector<16xi32>,
        %get3A_326 = arith.index_cast %mul3A_323 : i32 to index
        %get3A_327 = tpu.vector_load %arg15[%get3A_326] {strides = array<i32>} : memref<2000xf32, #tpu.memory_space<vmem>>, vector<16xf32>,
        %shift_right_logical3A_328 = arith.constant 7 : i32
        %shift_right_logical3A_329 = vector.broadcast %shift_right_logical3A_328 : i32 to vector<16xi32>
        %shift_right_logical3A_330 = arith.shrui %get3A_325, %shift_right_logical3A_329 : vector<16xi32>
        %and3A_331 = arith.constant 127 : i32
        %and3A_332 = vector.broadcast %and3A_331 : i32 to vector<16xi32>
        %and3A_333 = arith.andi %get3A_325, %and3A_332 : vector<16xi32>
        tpu.vector_store_idx %arg8[%shift_right_logical3A_330, %and3A_333], %get3A_327 {add = true} : memref<392x128xf32, #tpu.memory_space<vmem>>[vector<16xi32>, vector<16xi32>], vector<16xf32>,
        %scan3A_334 = arith.constant 1 : i32
        %scan3A_335 = arith.addi %scan3A_321, %scan3A_334 : i32
        %mul3A_336 = arith.constant 16 : i32
        %mul3A_337 = arith.muli %scan3A_335, %mul3A_336 : i32
        %get3A_338 = arith.index_cast %mul3A_337 : i32 to index
        %get3A_339 = tpu.vector_load %arg11[%get3A_338] {strides = array<i32>} : memref<2000xi32, #tpu.memory_space<vmem>>, vector<16xi32>,
        %get3A_340 = arith.index_cast %mul3A_337 : i32 to index
        %get3A_341 = tpu.vector_load %arg15[%get3A_340] {strides = array<i32>} : memref<2000xf32, #tpu.memory_space<vmem>>, vector<16xf32>,
        %shift_right_logical3A_342 = arith.constant 7 : i32
        %shift_right_logical3A_343 = vector.broadcast %shift_right_logical3A_342 : i32 to vector<16xi32>
        %shift_right_logical3A_344 = arith.shrui %get3A_339, %shift_right_logical3A_343 : vector<16xi32>
        %and3A_345 = arith.constant 127 : i32
        %and3A_346 = vector.broadcast %and3A_345 : i32 to vector<16xi32>
        %and3A_347 = arith.andi %get3A_339, %and3A_346 : vector<16xi32>
        tpu.vector_store_idx %arg8[%shift_right_logical3A_344, %and3A_347], %get3A_341 {add = true} : memref<392x128xf32, #tpu.memory_space<vmem>>[vector<16xi32>, vector<16xi32>], vector<16xf32>,
        %scan3A_348 = arith.constant 2 : i32
        %scan3A_349 = arith.addi %scan3A_321, %scan3A_348 : i32
        %mul3A_350 = arith.constant 16 : i32
        %mul3A_351 = arith.muli %scan3A_349, %mul3A_350 : i32
        %get3A_352 = arith.index_cast %mul3A_351 : i32 to index
        %get3A_353 = tpu.vector_load %arg11[%get3A_352] {strides = array<i32>} : memref<2000xi32, #tpu.memory_space<vmem>>, vector<16xi32>,
        %get3A_354 = arith.index_cast %mul3A_351 : i32 to index
        %get3A_355 = tpu.vector_load %arg15[%get3A_354] {strides = array<i32>} : memref<2000xf32, #tpu.memory_space<vmem>>, vector<16xf32>,
        %shift_right_logical3A_356 = arith.constant 7 : i32
        %shift_right_logical3A_357 = vector.broadcast %shift_right_logical3A_356 : i32 to vector<16xi32>
        %shift_right_logical3A_358 = arith.shrui %get3A_353, %shift_right_logical3A_357 : vector<16xi32>
        %and3A_359 = arith.constant 127 : i32
        %and3A_360 = vector.broadcast %and3A_359 : i32 to vector<16xi32>
        %and3A_361 = arith.andi %get3A_353, %and3A_360 : vector<16xi32>
        tpu.vector_store_idx %arg8[%shift_right_logical3A_358, %and3A_361], %get3A_355 {add = true} : memref<392x128xf32, #tpu.memory_space<vmem>>[vector<16xi32>, vector<16xi32>], vector<16xf32>,
        %scan3A_362 = arith.constant 3 : i32
        %scan3A_363 = arith.addi %scan3A_321, %scan3A_362 : i32
        %mul3A_364 = arith.constant 16 : i32
        %mul3A_365 = arith.muli %scan3A_363, %mul3A_364 : i32
        %get3A_366 = arith.index_cast %mul3A_365 : i32 to index
        %get3A_367 = tpu.vector_load %arg11[%get3A_366] {strides = array<i32>} : memref<2000xi32, #tpu.memory_space<vmem>>, vector<16xi32>,
        %get3A_368 = arith.index_cast %mul3A_365 : i32 to index
        %get3A_369 = tpu.vector_load %arg15[%get3A_368] {strides = array<i32>} : memref<2000xf32, #tpu.memory_space<vmem>>, vector<16xf32>,
        %shift_right_logical3A_370 = arith.constant 7 : i32
        %shift_right_logical3A_371 = vector.broadcast %shift_right_logical3A_370 : i32 to vector<16xi32>
        %shift_right_logical3A_372 = arith.shrui %get3A_367, %shift_right_logical3A_371 : vector<16xi32>
        %and3A_373 = arith.constant 127 : i32
        %and3A_374 = vector.broadcast %and3A_373 : i32 to vector<16xi32>
        %and3A_375 = arith.andi %get3A_367, %and3A_374 : vector<16xi32>
        tpu.vector_store_idx %arg8[%shift_right_logical3A_372, %and3A_375], %get3A_369 {add = true} : memref<392x128xf32, #tpu.memory_space<vmem>>[vector<16xi32>, vector<16xi32>], vector<16xf32>,
        %scan3A_376 = arith.constant 4 : i32
        %scan3A_377 = arith.addi %scan3A_321, %scan3A_376 : i32
        %mul3A_378 = arith.constant 16 : i32
        %mul3A_379 = arith.muli %scan3A_377, %mul3A_378 : i32
        %get3A_380 = arith.index_cast %mul3A_379 : i32 to index
        %get3A_381 = tpu.vector_load %arg11[%get3A_380] {strides = array<i32>} : memref<2000xi32, #tpu.memory_space<vmem>>, vector<16xi32>,
        %get3A_382 = arith.index_cast %mul3A_379 : i32 to index
        %get3A_383 = tpu.vector_load %arg15[%get3A_382] {strides = array<i32>} : memref<2000xf32, #tpu.memory_space<vmem>>, vector<16xf32>,
        %shift_right_logical3A_384 = arith.constant 7 : i32
        %shift_right_logical3A_385 = vector.broadcast %shift_right_logical3A_384 : i32 to vector<16xi32>
        %shift_right_logical3A_386 = arith.shrui %get3A_381, %shift_right_logical3A_385 : vector<16xi32>
        %and3A_387 = arith.constant 127 : i32
        %and3A_388 = vector.broadcast %and3A_387 : i32 to vector<16xi32>
        %and3A_389 = arith.andi %get3A_381, %and3A_388 : vector<16xi32>
        tpu.vector_store_idx %arg8[%shift_right_logical3A_386, %and3A_389], %get3A_383 {add = true} : memref<392x128xf32, #tpu.memory_space<vmem>>[vector<16xi32>, vector<16xi32>], vector<16xf32>,
        %scan3A_390 = arith.constant 5 : i32
        %scan3A_391 = arith.addi %scan3A_321, %scan3A_390 : i32
        %mul3A_392 = arith.constant 16 : i32
        %mul3A_393 = arith.muli %scan3A_391, %mul3A_392 : i32
        %get3A_394 = arith.index_cast %mul3A_393 : i32 to index
        %get3A_395 = tpu.vector_load %arg11[%get3A_394] {strides = array<i32>} : memref<2000xi32, #tpu.memory_space<vmem>>, vector<16xi32>,
        %get3A_396 = arith.index_cast %mul3A_393 : i32 to index
        %get3A_397 = tpu.vector_load %arg15[%get3A_396] {strides = array<i32>} : memref<2000xf32, #tpu.memory_space<vmem>>, vector<16xf32>,
        %shift_right_logical3A_398 = arith.constant 7 : i32
        %shift_right_logical3A_399 = vector.broadcast %shift_right_logical3A_398 : i32 to vector<16xi32>
        %shift_right_logical3A_400 = arith.shrui %get3A_395, %shift_right_logical3A_399 : vector<16xi32>
        %and3A_401 = arith.constant 127 : i32
        %and3A_402 = vector.broadcast %and3A_401 : i32 to vector<16xi32>
        %and3A_403 = arith.andi %get3A_395, %and3A_402 : vector<16xi32>
        tpu.vector_store_idx %arg8[%shift_right_logical3A_400, %and3A_403], %get3A_397 {add = true} : memref<392x128xf32, #tpu.memory_space<vmem>>[vector<16xi32>, vector<16xi32>], vector<16xf32>,
        %scan3A_404 = arith.constant 6 : i32
        %scan3A_405 = arith.addi %scan3A_321, %scan3A_404 : i32
        %mul3A_406 = arith.constant 16 : i32
        %mul3A_407 = arith.muli %scan3A_405, %mul3A_406 : i32
        %get3A_408 = arith.index_cast %mul3A_407 : i32 to index
        %get3A_409 = tpu.vector_load %arg11[%get3A_408] {strides = array<i32>} : memref<2000xi32, #tpu.memory_space<vmem>>, vector<16xi32>,
        %get3A_410 = arith.index_cast %mul3A_407 : i32 to index
        %get3A_411 = tpu.vector_load %arg15[%get3A_410] {strides = array<i32>} : memref<2000xf32, #tpu.memory_space<vmem>>, vector<16xf32>,
        %shift_right_logical3A_412 = arith.constant 7 : i32
        %shift_right_logical3A_413 = vector.broadcast %shift_right_logical3A_412 : i32 to vector<16xi32>
        %shift_right_logical3A_414 = arith.shrui %get3A_409, %shift_right_logical3A_413 : vector<16xi32>
        %and3A_415 = arith.constant 127 : i32
        %and3A_416 = vector.broadcast %and3A_415 : i32 to vector<16xi32>
        %and3A_417 = arith.andi %get3A_409, %and3A_416 : vector<16xi32>
        tpu.vector_store_idx %arg8[%shift_right_logical3A_414, %and3A_417], %get3A_411 {add = true} : memref<392x128xf32, #tpu.memory_space<vmem>>[vector<16xi32>, vector<16xi32>], vector<16xf32>,
        %scan3A_418 = arith.constant 7 : i32
        %scan3A_419 = arith.addi %scan3A_321, %scan3A_418 : i32
        %mul3A_420 = arith.constant 16 : i32
        %mul3A_421 = arith.muli %scan3A_419, %mul3A_420 : i32
        %get3A_422 = arith.index_cast %mul3A_421 : i32 to index
        %get3A_423 = tpu.vector_load %arg11[%get3A_422] {strides = array<i32>} : memref<2000xi32, #tpu.memory_space<vmem>>, vector<16xi32>,
        %get3A_424 = arith.index_cast %mul3A_421 : i32 to index
        %get3A_425 = tpu.vector_load %arg15[%get3A_424] {strides = array<i32>} : memref<2000xf32, #tpu.memory_space<vmem>>, vector<16xf32>,
        %shift_right_logical3A_426 = arith.constant 7 : i32
        %shift_right_logical3A_427 = vector.broadcast %shift_right_logical3A_426 : i32 to vector<16xi32>
        %shift_right_logical3A_428 = arith.shrui %get3A_423, %shift_right_logical3A_427 : vector<16xi32>
        %and3A_429 = arith.constant 127 : i32
        %and3A_430 = vector.broadcast %and3A_429 : i32 to vector<16xi32>
        %and3A_431 = arith.andi %get3A_423, %and3A_430 : vector<16xi32>
        tpu.vector_store_idx %arg8[%shift_right_logical3A_428, %and3A_431], %get3A_425 {add = true} : memref<392x128xf32, #tpu.memory_space<vmem>>[vector<16xi32>, vector<16xi32>], vector<16xf32>,
      }
      %scan3A_146 = arith.constant 120 : i32
      %scan3A_147 = arith.addi %scan3A_142, %scan3A_146 : i32
      %mul3A_148 = arith.constant 16 : i32
      %mul3A_149 = arith.muli %scan3A_147, %mul3A_148 : i32
      %get3A_150 = arith.index_cast %mul3A_149 : i32 to index
      %get3A_151 = tpu.vector_load %arg11[%get3A_150] {strides = array<i32>} : memref<2000xi32, #tpu.memory_space<vmem>>, vector<16xi32>,
      %get3A_152 = arith.index_cast %mul3A_149 : i32 to index
      %get3A_153 = tpu.vector_load %arg15[%get3A_152] {strides = array<i32>} : memref<2000xf32, #tpu.memory_space<vmem>>, vector<16xf32>,
      %shift_right_logical3A_154 = arith.constant 7 : i32
      %shift_right_logical3A_155 = vector.broadcast %shift_right_logical3A_154 : i32 to vector<16xi32>
      %shift_right_logical3A_156 = arith.shrui %get3A_151, %shift_right_logical3A_155 : vector<16xi32>
      %and3A_157 = arith.constant 127 : i32
      %and3A_158 = vector.broadcast %and3A_157 : i32 to vector<16xi32>
      %and3A_159 = arith.andi %get3A_151, %and3A_158 : vector<16xi32>
      tpu.vector_store_idx %arg8[%shift_right_logical3A_156, %and3A_159], %get3A_153 {add = true} : memref<392x128xf32, #tpu.memory_space<vmem>>[vector<16xi32>, vector<16xi32>], vector<16xf32>,
      %scan3A_160 = arith.constant 121 : i32
      %scan3A_161 = arith.addi %scan3A_142, %scan3A_160 : i32
      %mul3A_162 = arith.constant 16 : i32
      %mul3A_163 = arith.muli %scan3A_161, %mul3A_162 : i32
      %get3A_164 = arith.index_cast %mul3A_163 : i32 to index
      %get3A_165 = tpu.vector_load %arg11[%get3A_164] {strides = array<i32>} : memref<2000xi32, #tpu.memory_space<vmem>>, vector<16xi32>,
      %get3A_166 = arith.index_cast %mul3A_163 : i32 to index
      %get3A_167 = tpu.vector_load %arg15[%get3A_166] {strides = array<i32>} : memref<2000xf32, #tpu.memory_space<vmem>>, vector<16xf32>,
      %shift_right_logical3A_168 = arith.constant 7 : i32
      %shift_right_logical3A_169 = vector.broadcast %shift_right_logical3A_168 : i32 to vector<16xi32>
      %shift_right_logical3A_170 = arith.shrui %get3A_165, %shift_right_logical3A_169 : vector<16xi32>
      %and3A_171 = arith.constant 127 : i32
      %and3A_172 = vector.broadcast %and3A_171 : i32 to vector<16xi32>
      %and3A_173 = arith.andi %get3A_165, %and3A_172 : vector<16xi32>
      tpu.vector_store_idx %arg8[%shift_right_logical3A_170, %and3A_173], %get3A_167 {add = true} : memref<392x128xf32, #tpu.memory_space<vmem>>[vector<16xi32>, vector<16xi32>], vector<16xf32>,
      %scan3A_174 = arith.constant 122 : i32
      %scan3A_175 = arith.addi %scan3A_142, %scan3A_174 : i32
      %mul3A_176 = arith.constant 16 : i32
      %mul3A_177 = arith.muli %scan3A_175, %mul3A_176 : i32
      %get3A_178 = arith.index_cast %mul3A_177 : i32 to index
      %get3A_179 = tpu.vector_load %arg11[%get3A_178] {strides = array<i32>} : memref<2000xi32, #tpu.memory_space<vmem>>, vector<16xi32>,
      %get3A_180 = arith.index_cast %mul3A_177 : i32 to index
      %get3A_181 = tpu.vector_load %arg15[%get3A_180] {strides = array<i32>} : memref<2000xf32, #tpu.memory_space<vmem>>, vector<16xf32>,
      %shift_right_logical3A_182 = arith.constant 7 : i32
      %shift_right_logical3A_183 = vector.broadcast %shift_right_logical3A_182 : i32 to vector<16xi32>
      %shift_right_logical3A_184 = arith.shrui %get3A_179, %shift_right_logical3A_183 : vector<16xi32>
      %and3A_185 = arith.constant 127 : i32
      %and3A_186 = vector.broadcast %and3A_185 : i32 to vector<16xi32>
      %and3A_187 = arith.andi %get3A_179, %and3A_186 : vector<16xi32>
      tpu.vector_store_idx %arg8[%shift_right_logical3A_184, %and3A_187], %get3A_181 {add = true} : memref<392x128xf32, #tpu.memory_space<vmem>>[vector<16xi32>, vector<16xi32>], vector<16xf32>,
      %scan3A_188 = arith.constant 123 : i32
      %scan3A_189 = arith.addi %scan3A_142, %scan3A_188 : i32
      %mul3A_190 = arith.constant 16 : i32
      %mul3A_191 = arith.muli %scan3A_189, %mul3A_190 : i32
      %get3A_192 = arith.index_cast %mul3A_191 : i32 to index
      %get3A_193 = tpu.vector_load %arg11[%get3A_192] {strides = array<i32>} : memref<2000xi32, #tpu.memory_space<vmem>>, vector<16xi32>,
      %get3A_194 = arith.index_cast %mul3A_191 : i32 to index
      %get3A_195 = tpu.vector_load %arg15[%get3A_194] {strides = array<i32>} : memref<2000xf32, #tpu.memory_space<vmem>>, vector<16xf32>,
      %shift_right_logical3A_196 = arith.constant 7 : i32
      %shift_right_logical3A_197 = vector.broadcast %shift_right_logical3A_196 : i32 to vector<16xi32>
      %shift_right_logical3A_198 = arith.shrui %get3A_193, %shift_right_logical3A_197 : vector<16xi32>
      %and3A_199 = arith.constant 127 : i32
      %and3A_200 = vector.broadcast %and3A_199 : i32 to vector<16xi32>
      %and3A_201 = arith.andi %get3A_193, %and3A_200 : vector<16xi32>
      tpu.vector_store_idx %arg8[%shift_right_logical3A_198, %and3A_201], %get3A_195 {add = true} : memref<392x128xf32, #tpu.memory_space<vmem>>[vector<16xi32>, vector<16xi32>], vector<16xf32>,
      %scan3A_202 = arith.constant 124 : i32
      %scan3A_203 = arith.addi %scan3A_142, %scan3A_202 : i32
      %mul3A_204 = arith.constant 16 : i32
      %mul3A_205 = arith.muli %scan3A_203, %mul3A_204 : i32
      %get3A_206 = arith.index_cast %mul3A_205 : i32 to index
      %get3A_207 = tpu.vector_load %arg11[%get3A_206] {strides = array<i32>} : memref<2000xi32, #tpu.memory_space<vmem>>, vector<16xi32>,
      %get3A_208 = arith.index_cast %mul3A_205 : i32 to index
      %get3A_209 = tpu.vector_load %arg15[%get3A_208] {strides = array<i32>} : memref<2000xf32, #tpu.memory_space<vmem>>, vector<16xf32>,
      %shift_right_logical3A_210 = arith.constant 7 : i32
      %shift_right_logical3A_211 = vector.broadcast %shift_right_logical3A_210 : i32 to vector<16xi32>
      %shift_right_logical3A_212 = arith.shrui %get3A_207, %shift_right_logical3A_211 : vector<16xi32>
      %and3A_213 = arith.constant 127 : i32
      %and3A_214 = vector.broadcast %and3A_213 : i32 to vector<16xi32>
      %and3A_215 = arith.andi %get3A_207, %and3A_214 : vector<16xi32>
      tpu.vector_store_idx %arg8[%shift_right_logical3A_212, %and3A_215], %get3A_209 {add = true} : memref<392x128xf32, #tpu.memory_space<vmem>>[vector<16xi32>, vector<16xi32>], vector<16xf32>,
      %scan3A_216 = arith.constant 125 : i32
      %mul3A_217 = arith.constant 2 : i32
      %mul3A_218 = arith.muli %mul3A_217, %scan3A_112 : i32
      %add3A_219 = arith.constant 2 : i32
      %add3A_220 = arith.addi %mul3A_218, %add3A_219 : i32
      %mul3A_221 = arith.constant 2000 : i32
      %mul3A_222 = arith.muli %add3A_220, %mul3A_221 : i32
      %add3A_223 = arith.addi %mul3A_2, %mul3A_222 : i32
      %dma_start3A_224 = tpu.memref_slice %arg3[%add3A_223] : memref<1600000xf32, #tpu.memory_space<hbm>> -> memref<2000xf32, #tpu.memory_space<hbm>>
      %dma_start3A_225 = tpu.memref_slice %arg3[%add3A_223] : memref<1600000xf32, #tpu.memory_space<hbm>> -> memref<2000xf32, #tpu.memory_space<hbm>>
      tpu.enqueue_dma source(%dma_start3A_225 : memref<2000xf32, #tpu.memory_space<hbm>>) target(%arg9 : memref<2000xf32, #tpu.memory_space<vmem>>) target_semaphore(%arg17 : memref<!tpu.dma_semaphore, #tpu.memory_space<semaphore_mem>>)
      %dma_start3A_226 = tpu.memref_slice %arg4[%add3A_223] : memref<1600000xi32, #tpu.memory_space<hbm>> -> memref<2000xi32, #tpu.memory_space<hbm>>
      %dma_start3A_227 = tpu.memref_slice %arg4[%add3A_223] : memref<1600000xi32, #tpu.memory_space<hbm>> -> memref<2000xi32, #tpu.memory_space<hbm>>
      tpu.enqueue_dma source(%dma_start3A_227 : memref<2000xi32, #tpu.memory_space<hbm>>) target(%arg11 : memref<2000xi32, #tpu.memory_space<vmem>>) target_semaphore(%arg17 : memref<!tpu.dma_semaphore, #tpu.memory_space<semaphore_mem>>)
      %dma_start3A_228 = tpu.memref_slice %arg5[%add3A_223] : memref<1600000xi32, #tpu.memory_space<hbm>> -> memref<2000xi32, #tpu.memory_space<hbm>>
      %dma_start3A_229 = tpu.memref_slice %arg5[%add3A_223] : memref<1600000xi32, #tpu.memory_space<hbm>> -> memref<2000xi32, #tpu.memory_space<hbm>>
      tpu.enqueue_dma source(%dma_start3A_229 : memref<2000xi32, #tpu.memory_space<hbm>>) target(%arg13 : memref<2000xi32, #tpu.memory_space<vmem>>) target_semaphore(%arg17 : memref<!tpu.dma_semaphore, #tpu.memory_space<semaphore_mem>>)
      %dma_wait3A_230 = arith.constant 0 : i32
      %dma_wait3A_231 = tpu.memref_slice %arg3[%dma_wait3A_230] : memref<1600000xf32, #tpu.memory_space<hbm>> -> memref<2000xf32, #tpu.memory_space<hbm>>
      %dma_wait3A_232 = arith.constant 0 : i32
      %dma_wait3A_233 = tpu.memref_slice %arg3[%dma_wait3A_232] : memref<1600000xf32, #tpu.memory_space<hbm>> -> memref<2000xf32, #tpu.memory_space<hbm>>
      tpu.wait_dma2 semaphore(%arg18 : memref<!tpu.dma_semaphore, #tpu.memory_space<semaphore_mem>>) src(%dma_wait3A_233 : memref<2000xf32, #tpu.memory_space<hbm>>) dst(%arg10 : memref<2000xf32, #tpu.memory_space<vmem>>)
      %dma_wait3A_234 = arith.constant 0 : i32
      %dma_wait3A_235 = tpu.memref_slice %arg4[%dma_wait3A_234] : memref<1600000xi32, #tpu.memory_space<hbm>> -> memref<2000xi32, #tpu.memory_space<hbm>>
      %dma_wait3A_236 = arith.constant 0 : i32
      %dma_wait3A_237 = tpu.memref_slice %arg4[%dma_wait3A_236] : memref<1600000xi32, #tpu.memory_space<hbm>> -> memref<2000xi32, #tpu.memory_space<hbm>>
      tpu.wait_dma2 semaphore(%arg18 : memref<!tpu.dma_semaphore, #tpu.memory_space<semaphore_mem>>) src(%dma_wait3A_237 : memref<2000xi32, #tpu.memory_space<hbm>>) dst(%arg12 : memref<2000xi32, #tpu.memory_space<vmem>>)
      %dma_wait3A_238 = arith.constant 0 : i32
      %dma_wait3A_239 = tpu.memref_slice %arg5[%dma_wait3A_238] : memref<1600000xi32, #tpu.memory_space<hbm>> -> memref<2000xi32, #tpu.memory_space<hbm>>
      %dma_wait3A_240 = arith.constant 0 : i32
      %dma_wait3A_241 = tpu.memref_slice %arg5[%dma_wait3A_240] : memref<1600000xi32, #tpu.memory_space<hbm>> -> memref<2000xi32, #tpu.memory_space<hbm>>
      tpu.wait_dma2 semaphore(%arg18 : memref<!tpu.dma_semaphore, #tpu.memory_space<semaphore_mem>>) src(%dma_wait3A_241 : memref<2000xi32, #tpu.memory_space<hbm>>) dst(%arg14 : memref<2000xi32, #tpu.memory_space<vmem>>)
      %parallel_loop3A_242 = arith.constant 0 : i32
      %parallel_loop3A_243 = arith.constant 125 : i32
      %parallel_loop3A_244 = arith.constant 1 : i32
      scf.for %parallel_loop3A_321 = %parallel_loop3A_242 to %parallel_loop3A_243 step %parallel_loop3A_244  : i32 {
        %parallel_loop3A_322 = arith.constant 16 : i32
        %parallel_loop3A_323 = arith.muli %parallel_loop3A_321, %parallel_loop3A_322 : i32
        %parallel_loop3A_324 = arith.index_cast %parallel_loop3A_323 : i32 to index
        %parallel_loop3A_325 = tpu.vector_load %arg10[%parallel_loop3A_324] {strides = array<i32>} : memref<2000xf32, #tpu.memory_space<vmem>>, vector<16xf32>,
        %parallel_loop3A_326 = arith.index_cast %parallel_loop3A_323 : i32 to index
        %parallel_loop3A_327 = tpu.vector_load %arg12[%parallel_loop3A_326] {strides = array<i32>} : memref<2000xi32, #tpu.memory_space<vmem>>, vector<16xi32>,
        %parallel_loop3A_328 = arith.index_cast %parallel_loop3A_323 : i32 to index
        %parallel_loop3A_329 = tpu.vector_load %arg14[%parallel_loop3A_328] {strides = array<i32>} : memref<2000xi32, #tpu.memory_space<vmem>>, vector<16xi32>,
        %parallel_loop3A_330 = tpu.vector_load_idx %arg7[%parallel_loop3A_327] : memref<50000xf32, #tpu.memory_space<vmem>>[vector<16xi32>], vector<16xf32>,
        %parallel_loop3A_331 = tpu.vector_load_idx %arg7[%parallel_loop3A_329] : memref<50000xf32, #tpu.memory_space<vmem>>[vector<16xi32>], vector<16xf32>,
        %parallel_loop3A_332 = arith.mulf %parallel_loop3A_325, %parallel_loop3A_325 : vector<16xf32>
        %parallel_loop3A_333 = arith.constant 1.000000e+00 : f32
        %parallel_loop3A_334 = vector.broadcast %parallel_loop3A_333 : f32 to vector<16xf32>
        %parallel_loop3A_335 = arith.addf %parallel_loop3A_332, %parallel_loop3A_334 : vector<16xf32>
        %parallel_loop3A_336 = vector.bitcast %parallel_loop3A_335 : vector<16xf32> to vector<16xi32>
        %parallel_loop3A_337 = arith.constant 1 : i32
        %parallel_loop3A_338 = vector.broadcast %parallel_loop3A_337 : i32 to vector<16xi32>
        %parallel_loop3A_339 = arith.shrui %parallel_loop3A_336, %parallel_loop3A_338 : vector<16xi32>
        %parallel_loop3A_340 = arith.constant 1597463007 : i32
        %parallel_loop3A_341 = vector.broadcast %parallel_loop3A_340 : i32 to vector<16xi32>
        %parallel_loop3A_342 = arith.subi %parallel_loop3A_341, %parallel_loop3A_339 : vector<16xi32>
        %parallel_loop3A_343 = vector.bitcast %parallel_loop3A_342 : vector<16xi32> to vector<16xf32>
        %parallel_loop3A_344 = arith.constant -5.000000e-01 : f32
        %parallel_loop3A_345 = vector.broadcast %parallel_loop3A_344 : f32 to vector<16xf32>
        %parallel_loop3A_346 = arith.mulf %parallel_loop3A_335, %parallel_loop3A_345 : vector<16xf32>
        %parallel_loop3A_347 = arith.mulf %parallel_loop3A_346, %parallel_loop3A_343 : vector<16xf32>
        %parallel_loop3A_348 = arith.mulf %parallel_loop3A_347, %parallel_loop3A_343 : vector<16xf32>
        %parallel_loop3A_349 = arith.constant 1.500000e+00 : f32
        %parallel_loop3A_350 = vector.broadcast %parallel_loop3A_349 : f32 to vector<16xf32>
        %parallel_loop3A_351 = arith.addf %parallel_loop3A_350, %parallel_loop3A_348 : vector<16xf32>
        %parallel_loop3A_352 = arith.mulf %parallel_loop3A_343, %parallel_loop3A_351 : vector<16xf32>
        %parallel_loop3A_353 = arith.mulf %parallel_loop3A_335, %parallel_loop3A_352 : vector<16xf32>
        %parallel_loop3A_354 = arith.constant 1.000000e+00 : f32
        %parallel_loop3A_355 = vector.broadcast %parallel_loop3A_354 : f32 to vector<16xf32>
        %parallel_loop3A_356 = arith.divf %parallel_loop3A_355, %parallel_loop3A_325 : vector<16xf32>
        %parallel_loop3A_357 = arith.constant 0.0069444445 : f32
        %parallel_loop3A_358 = vector.broadcast %parallel_loop3A_357 : f32 to vector<16xf32>
        %parallel_loop3A_359 = arith.mulf %parallel_loop3A_325, %parallel_loop3A_358 : vector<16xf32>
        %parallel_loop3A_360 = arith.addf %parallel_loop3A_356, %parallel_loop3A_359 : vector<16xf32>
        %parallel_loop3A_361 = arith.constant 0.166666672 : f32
        %parallel_loop3A_362 = vector.broadcast %parallel_loop3A_361 : f32 to vector<16xf32>
        %parallel_loop3A_363 = arith.subf %parallel_loop3A_360, %parallel_loop3A_362 : vector<16xf32>
        %parallel_loop3A_364 = arith.constant 0.0069444445 : f32
        %parallel_loop3A_365 = vector.broadcast %parallel_loop3A_364 : f32 to vector<16xf32>
        %parallel_loop3A_366 = arith.mulf %parallel_loop3A_353, %parallel_loop3A_365 : vector<16xf32>
        %parallel_loop3A_367 = arith.addf %parallel_loop3A_352, %parallel_loop3A_366 : vector<16xf32>
        %parallel_loop3A_368 = arith.constant 0.166666672 : f32
        %parallel_loop3A_369 = vector.broadcast %parallel_loop3A_368 : f32 to vector<16xf32>
        %parallel_loop3A_370 = arith.subf %parallel_loop3A_367, %parallel_loop3A_369 : vector<16xf32>
        %parallel_loop3A_371 = arith.constant 5.000000e-01 : f32
        %parallel_loop3A_372 = vector.broadcast %parallel_loop3A_371 : f32 to vector<16xf32>
        %parallel_loop3A_373 = arith.mulf %parallel_loop3A_325, %parallel_loop3A_372 : vector<16xf32>
        %parallel_loop3A_374 = arith.constant 1.000000e+00 : f32
        %parallel_loop3A_375 = vector.broadcast %parallel_loop3A_374 : f32 to vector<16xf32>
        %parallel_loop3A_376 = arith.minimumf %parallel_loop3A_373, %parallel_loop3A_375 : vector<16xf32>
        %parallel_loop3A_377 = arith.mulf %parallel_loop3A_376, %parallel_loop3A_376 : vector<16xf32>
        %parallel_loop3A_378 = arith.mulf %parallel_loop3A_377, %parallel_loop3A_376 : vector<16xf32>
        %parallel_loop3A_379 = arith.constant 1.500000e+01 : f32
        %parallel_loop3A_380 = vector.broadcast %parallel_loop3A_379 : f32 to vector<16xf32>
        %parallel_loop3A_381 = arith.mulf %parallel_loop3A_380, %parallel_loop3A_376 : vector<16xf32>
        %parallel_loop3A_382 = arith.constant 1.000000e+01 : f32
        %parallel_loop3A_383 = vector.broadcast %parallel_loop3A_382 : f32 to vector<16xf32>
        %parallel_loop3A_384 = arith.subf %parallel_loop3A_383, %parallel_loop3A_381 : vector<16xf32>
        %parallel_loop3A_385 = arith.constant 6.000000e+00 : f32
        %parallel_loop3A_386 = vector.broadcast %parallel_loop3A_385 : f32 to vector<16xf32>
        %parallel_loop3A_387 = arith.mulf %parallel_loop3A_386, %parallel_loop3A_377 : vector<16xf32>
        %parallel_loop3A_388 = arith.addf %parallel_loop3A_384, %parallel_loop3A_387 : vector<16xf32>
        %parallel_loop3A_389 = arith.mulf %parallel_loop3A_378, %parallel_loop3A_388 : vector<16xf32>
        %parallel_loop3A_390 = arith.constant 1.000000e+00 : f32
        %parallel_loop3A_391 = vector.broadcast %parallel_loop3A_390 : f32 to vector<16xf32>
        %parallel_loop3A_392 = arith.subf %parallel_loop3A_391, %parallel_loop3A_389 : vector<16xf32>
        %parallel_loop3A_393 = arith.mulf %parallel_loop3A_330, %parallel_loop3A_331 : vector<16xf32>
        %parallel_loop3A_394 = arith.subf %parallel_loop3A_370, %parallel_loop3A_363 : vector<16xf32>
        %parallel_loop3A_395 = arith.mulf %parallel_loop3A_392, %parallel_loop3A_394 : vector<16xf32>
        %parallel_loop3A_396 = arith.addf %parallel_loop3A_363, %parallel_loop3A_395 : vector<16xf32>
        %parallel_loop3A_397 = arith.mulf %parallel_loop3A_393, %parallel_loop3A_396 : vector<16xf32>
        %parallel_loop3A_398 = arith.constant 1.200000e+01 : f32
        %parallel_loop3A_399 = vector.broadcast %parallel_loop3A_398 : f32 to vector<16xf32>
        %parallel_loop3A_400 = arith.cmpf ole, %parallel_loop3A_325, %parallel_loop3A_399 : vector<16xf32>
        %parallel_loop3A_401 = arith.constant 0.000000e+00 : f32
        %parallel_loop3A_402 = vector.broadcast %parallel_loop3A_401 : f32 to vector<16xf32>
        %parallel_loop3A_403 = arith.select %parallel_loop3A_400, %parallel_loop3A_397, %parallel_loop3A_402 : vector<16xi1>, vector<16xf32>
        %parallel_loop3A_404 = arith.index_cast %parallel_loop3A_323 : i32 to index
        %parallel_loop3A_405 = tpu.vector_load %arg15[%parallel_loop3A_404] {strides = array<i32>} : memref<2000xf32, #tpu.memory_space<vmem>>, vector<16xf32>,
        tpu.vector_store %arg15[%parallel_loop3A_404], %parallel_loop3A_403 {strides = array<i32>} : memref<2000xf32, #tpu.memory_space<vmem>>, vector<16xf32>,
      } {sc.loop_unroll_factor = 4 : i64, sc.parallel_access}
      %scan3A_245 = arith.constant 0 : i32
      %scan3A_246 = arith.constant 0 : i32
      %scan3A_247 = arith.constant 120 : i32
      %scan3A_248 = arith.addi %scan3A_246, %scan3A_247 : i32
      %scan3A_249 = arith.constant 8 : i32
      scf.for %scan3A_321 = %scan3A_246 to %scan3A_248 step %scan3A_249  : i32 {
        %mul3A_322 = arith.constant 16 : i32
        %mul3A_323 = arith.muli %scan3A_321, %mul3A_322 : i32
        %get3A_324 = arith.index_cast %mul3A_323 : i32 to index
        %get3A_325 = tpu.vector_load %arg12[%get3A_324] {strides = array<i32>} : memref<2000xi32, #tpu.memory_space<vmem>>, vector<16xi32>,
        %get3A_326 = arith.index_cast %mul3A_323 : i32 to index
        %get3A_327 = tpu.vector_load %arg15[%get3A_326] {strides = array<i32>} : memref<2000xf32, #tpu.memory_space<vmem>>, vector<16xf32>,
        %shift_right_logical3A_328 = arith.constant 7 : i32
        %shift_right_logical3A_329 = vector.broadcast %shift_right_logical3A_328 : i32 to vector<16xi32>
        %shift_right_logical3A_330 = arith.shrui %get3A_325, %shift_right_logical3A_329 : vector<16xi32>
        %and3A_331 = arith.constant 127 : i32
        %and3A_332 = vector.broadcast %and3A_331 : i32 to vector<16xi32>
        %and3A_333 = arith.andi %get3A_325, %and3A_332 : vector<16xi32>
        tpu.vector_store_idx %arg8[%shift_right_logical3A_330, %and3A_333], %get3A_327 {add = true} : memref<392x128xf32, #tpu.memory_space<vmem>>[vector<16xi32>, vector<16xi32>], vector<16xf32>,
        %scan3A_334 = arith.constant 1 : i32
        %scan3A_335 = arith.addi %scan3A_321, %scan3A_334 : i32
        %mul3A_336 = arith.constant 16 : i32
        %mul3A_337 = arith.muli %scan3A_335, %mul3A_336 : i32
        %get3A_338 = arith.index_cast %mul3A_337 : i32 to index
        %get3A_339 = tpu.vector_load %arg12[%get3A_338] {strides = array<i32>} : memref<2000xi32, #tpu.memory_space<vmem>>, vector<16xi32>,
        %get3A_340 = arith.index_cast %mul3A_337 : i32 to index
        %get3A_341 = tpu.vector_load %arg15[%get3A_340] {strides = array<i32>} : memref<2000xf32, #tpu.memory_space<vmem>>, vector<16xf32>,
        %shift_right_logical3A_342 = arith.constant 7 : i32
        %shift_right_logical3A_343 = vector.broadcast %shift_right_logical3A_342 : i32 to vector<16xi32>
        %shift_right_logical3A_344 = arith.shrui %get3A_339, %shift_right_logical3A_343 : vector<16xi32>
        %and3A_345 = arith.constant 127 : i32
        %and3A_346 = vector.broadcast %and3A_345 : i32 to vector<16xi32>
        %and3A_347 = arith.andi %get3A_339, %and3A_346 : vector<16xi32>
        tpu.vector_store_idx %arg8[%shift_right_logical3A_344, %and3A_347], %get3A_341 {add = true} : memref<392x128xf32, #tpu.memory_space<vmem>>[vector<16xi32>, vector<16xi32>], vector<16xf32>,
        %scan3A_348 = arith.constant 2 : i32
        %scan3A_349 = arith.addi %scan3A_321, %scan3A_348 : i32
        %mul3A_350 = arith.constant 16 : i32
        %mul3A_351 = arith.muli %scan3A_349, %mul3A_350 : i32
        %get3A_352 = arith.index_cast %mul3A_351 : i32 to index
        %get3A_353 = tpu.vector_load %arg12[%get3A_352] {strides = array<i32>} : memref<2000xi32, #tpu.memory_space<vmem>>, vector<16xi32>,
        %get3A_354 = arith.index_cast %mul3A_351 : i32 to index
        %get3A_355 = tpu.vector_load %arg15[%get3A_354] {strides = array<i32>} : memref<2000xf32, #tpu.memory_space<vmem>>, vector<16xf32>,
        %shift_right_logical3A_356 = arith.constant 7 : i32
        %shift_right_logical3A_357 = vector.broadcast %shift_right_logical3A_356 : i32 to vector<16xi32>
        %shift_right_logical3A_358 = arith.shrui %get3A_353, %shift_right_logical3A_357 : vector<16xi32>
        %and3A_359 = arith.constant 127 : i32
        %and3A_360 = vector.broadcast %and3A_359 : i32 to vector<16xi32>
        %and3A_361 = arith.andi %get3A_353, %and3A_360 : vector<16xi32>
        tpu.vector_store_idx %arg8[%shift_right_logical3A_358, %and3A_361], %get3A_355 {add = true} : memref<392x128xf32, #tpu.memory_space<vmem>>[vector<16xi32>, vector<16xi32>], vector<16xf32>,
        %scan3A_362 = arith.constant 3 : i32
        %scan3A_363 = arith.addi %scan3A_321, %scan3A_362 : i32
        %mul3A_364 = arith.constant 16 : i32
        %mul3A_365 = arith.muli %scan3A_363, %mul3A_364 : i32
        %get3A_366 = arith.index_cast %mul3A_365 : i32 to index
        %get3A_367 = tpu.vector_load %arg12[%get3A_366] {strides = array<i32>} : memref<2000xi32, #tpu.memory_space<vmem>>, vector<16xi32>,
        %get3A_368 = arith.index_cast %mul3A_365 : i32 to index
        %get3A_369 = tpu.vector_load %arg15[%get3A_368] {strides = array<i32>} : memref<2000xf32, #tpu.memory_space<vmem>>, vector<16xf32>,
        %shift_right_logical3A_370 = arith.constant 7 : i32
        %shift_right_logical3A_371 = vector.broadcast %shift_right_logical3A_370 : i32 to vector<16xi32>
        %shift_right_logical3A_372 = arith.shrui %get3A_367, %shift_right_logical3A_371 : vector<16xi32>
        %and3A_373 = arith.constant 127 : i32
        %and3A_374 = vector.broadcast %and3A_373 : i32 to vector<16xi32>
        %and3A_375 = arith.andi %get3A_367, %and3A_374 : vector<16xi32>
        tpu.vector_store_idx %arg8[%shift_right_logical3A_372, %and3A_375], %get3A_369 {add = true} : memref<392x128xf32, #tpu.memory_space<vmem>>[vector<16xi32>, vector<16xi32>], vector<16xf32>,
        %scan3A_376 = arith.constant 4 : i32
        %scan3A_377 = arith.addi %scan3A_321, %scan3A_376 : i32
        %mul3A_378 = arith.constant 16 : i32
        %mul3A_379 = arith.muli %scan3A_377, %mul3A_378 : i32
        %get3A_380 = arith.index_cast %mul3A_379 : i32 to index
        %get3A_381 = tpu.vector_load %arg12[%get3A_380] {strides = array<i32>} : memref<2000xi32, #tpu.memory_space<vmem>>, vector<16xi32>,
        %get3A_382 = arith.index_cast %mul3A_379 : i32 to index
        %get3A_383 = tpu.vector_load %arg15[%get3A_382] {strides = array<i32>} : memref<2000xf32, #tpu.memory_space<vmem>>, vector<16xf32>,
        %shift_right_logical3A_384 = arith.constant 7 : i32
        %shift_right_logical3A_385 = vector.broadcast %shift_right_logical3A_384 : i32 to vector<16xi32>
        %shift_right_logical3A_386 = arith.shrui %get3A_381, %shift_right_logical3A_385 : vector<16xi32>
        %and3A_387 = arith.constant 127 : i32
        %and3A_388 = vector.broadcast %and3A_387 : i32 to vector<16xi32>
        %and3A_389 = arith.andi %get3A_381, %and3A_388 : vector<16xi32>
        tpu.vector_store_idx %arg8[%shift_right_logical3A_386, %and3A_389], %get3A_383 {add = true} : memref<392x128xf32, #tpu.memory_space<vmem>>[vector<16xi32>, vector<16xi32>], vector<16xf32>,
        %scan3A_390 = arith.constant 5 : i32
        %scan3A_391 = arith.addi %scan3A_321, %scan3A_390 : i32
        %mul3A_392 = arith.constant 16 : i32
        %mul3A_393 = arith.muli %scan3A_391, %mul3A_392 : i32
        %get3A_394 = arith.index_cast %mul3A_393 : i32 to index
        %get3A_395 = tpu.vector_load %arg12[%get3A_394] {strides = array<i32>} : memref<2000xi32, #tpu.memory_space<vmem>>, vector<16xi32>,
        %get3A_396 = arith.index_cast %mul3A_393 : i32 to index
        %get3A_397 = tpu.vector_load %arg15[%get3A_396] {strides = array<i32>} : memref<2000xf32, #tpu.memory_space<vmem>>, vector<16xf32>,
        %shift_right_logical3A_398 = arith.constant 7 : i32
        %shift_right_logical3A_399 = vector.broadcast %shift_right_logical3A_398 : i32 to vector<16xi32>
        %shift_right_logical3A_400 = arith.shrui %get3A_395, %shift_right_logical3A_399 : vector<16xi32>
        %and3A_401 = arith.constant 127 : i32
        %and3A_402 = vector.broadcast %and3A_401 : i32 to vector<16xi32>
        %and3A_403 = arith.andi %get3A_395, %and3A_402 : vector<16xi32>
        tpu.vector_store_idx %arg8[%shift_right_logical3A_400, %and3A_403], %get3A_397 {add = true} : memref<392x128xf32, #tpu.memory_space<vmem>>[vector<16xi32>, vector<16xi32>], vector<16xf32>,
        %scan3A_404 = arith.constant 6 : i32
        %scan3A_405 = arith.addi %scan3A_321, %scan3A_404 : i32
        %mul3A_406 = arith.constant 16 : i32
        %mul3A_407 = arith.muli %scan3A_405, %mul3A_406 : i32
        %get3A_408 = arith.index_cast %mul3A_407 : i32 to index
        %get3A_409 = tpu.vector_load %arg12[%get3A_408] {strides = array<i32>} : memref<2000xi32, #tpu.memory_space<vmem>>, vector<16xi32>,
        %get3A_410 = arith.index_cast %mul3A_407 : i32 to index
        %get3A_411 = tpu.vector_load %arg15[%get3A_410] {strides = array<i32>} : memref<2000xf32, #tpu.memory_space<vmem>>, vector<16xf32>,
        %shift_right_logical3A_412 = arith.constant 7 : i32
        %shift_right_logical3A_413 = vector.broadcast %shift_right_logical3A_412 : i32 to vector<16xi32>
        %shift_right_logical3A_414 = arith.shrui %get3A_409, %shift_right_logical3A_413 : vector<16xi32>
        %and3A_415 = arith.constant 127 : i32
        %and3A_416 = vector.broadcast %and3A_415 : i32 to vector<16xi32>
        %and3A_417 = arith.andi %get3A_409, %and3A_416 : vector<16xi32>
        tpu.vector_store_idx %arg8[%shift_right_logical3A_414, %and3A_417], %get3A_411 {add = true} : memref<392x128xf32, #tpu.memory_space<vmem>>[vector<16xi32>, vector<16xi32>], vector<16xf32>,
        %scan3A_418 = arith.constant 7 : i32
        %scan3A_419 = arith.addi %scan3A_321, %scan3A_418 : i32
        %mul3A_420 = arith.constant 16 : i32
        %mul3A_421 = arith.muli %scan3A_419, %mul3A_420 : i32
        %get3A_422 = arith.index_cast %mul3A_421 : i32 to index
        %get3A_423 = tpu.vector_load %arg12[%get3A_422] {strides = array<i32>} : memref<2000xi32, #tpu.memory_space<vmem>>, vector<16xi32>,
        %get3A_424 = arith.index_cast %mul3A_421 : i32 to index
        %get3A_425 = tpu.vector_load %arg15[%get3A_424] {strides = array<i32>} : memref<2000xf32, #tpu.memory_space<vmem>>, vector<16xf32>,
        %shift_right_logical3A_426 = arith.constant 7 : i32
        %shift_right_logical3A_427 = vector.broadcast %shift_right_logical3A_426 : i32 to vector<16xi32>
        %shift_right_logical3A_428 = arith.shrui %get3A_423, %shift_right_logical3A_427 : vector<16xi32>
        %and3A_429 = arith.constant 127 : i32
        %and3A_430 = vector.broadcast %and3A_429 : i32 to vector<16xi32>
        %and3A_431 = arith.andi %get3A_423, %and3A_430 : vector<16xi32>
        tpu.vector_store_idx %arg8[%shift_right_logical3A_428, %and3A_431], %get3A_425 {add = true} : memref<392x128xf32, #tpu.memory_space<vmem>>[vector<16xi32>, vector<16xi32>], vector<16xf32>,
      }
      %scan3A_250 = arith.constant 120 : i32
      %scan3A_251 = arith.addi %scan3A_246, %scan3A_250 : i32
      %mul3A_252 = arith.constant 16 : i32
      %mul3A_253 = arith.muli %scan3A_251, %mul3A_252 : i32
      %get3A_254 = arith.index_cast %mul3A_253 : i32 to index
      %get3A_255 = tpu.vector_load %arg12[%get3A_254] {strides = array<i32>} : memref<2000xi32, #tpu.memory_space<vmem>>, vector<16xi32>,
      %get3A_256 = arith.index_cast %mul3A_253 : i32 to index
      %get3A_257 = tpu.vector_load %arg15[%get3A_256] {strides = array<i32>} : memref<2000xf32, #tpu.memory_space<vmem>>, vector<16xf32>,
      %shift_right_logical3A_258 = arith.constant 7 : i32
      %shift_right_logical3A_259 = vector.broadcast %shift_right_logical3A_258 : i32 to vector<16xi32>
      %shift_right_logical3A_260 = arith.shrui %get3A_255, %shift_right_logical3A_259 : vector<16xi32>
      %and3A_261 = arith.constant 127 : i32
      %and3A_262 = vector.broadcast %and3A_261 : i32 to vector<16xi32>
      %and3A_263 = arith.andi %get3A_255, %and3A_262 : vector<16xi32>
      tpu.vector_store_idx %arg8[%shift_right_logical3A_260, %and3A_263], %get3A_257 {add = true} : memref<392x128xf32, #tpu.memory_space<vmem>>[vector<16xi32>, vector<16xi32>], vector<16xf32>,
      %scan3A_264 = arith.constant 121 : i32
      %scan3A_265 = arith.addi %scan3A_246, %scan3A_264 : i32
      %mul3A_266 = arith.constant 16 : i32
      %mul3A_267 = arith.muli %scan3A_265, %mul3A_266 : i32
      %get3A_268 = arith.index_cast %mul3A_267 : i32 to index
      %get3A_269 = tpu.vector_load %arg12[%get3A_268] {strides = array<i32>} : memref<2000xi32, #tpu.memory_space<vmem>>, vector<16xi32>,
      %get3A_270 = arith.index_cast %mul3A_267 : i32 to index
      %get3A_271 = tpu.vector_load %arg15[%get3A_270] {strides = array<i32>} : memref<2000xf32, #tpu.memory_space<vmem>>, vector<16xf32>,
      %shift_right_logical3A_272 = arith.constant 7 : i32
      %shift_right_logical3A_273 = vector.broadcast %shift_right_logical3A_272 : i32 to vector<16xi32>
      %shift_right_logical3A_274 = arith.shrui %get3A_269, %shift_right_logical3A_273 : vector<16xi32>
      %and3A_275 = arith.constant 127 : i32
      %and3A_276 = vector.broadcast %and3A_275 : i32 to vector<16xi32>
      %and3A_277 = arith.andi %get3A_269, %and3A_276 : vector<16xi32>
      tpu.vector_store_idx %arg8[%shift_right_logical3A_274, %and3A_277], %get3A_271 {add = true} : memref<392x128xf32, #tpu.memory_space<vmem>>[vector<16xi32>, vector<16xi32>], vector<16xf32>,
      %scan3A_278 = arith.constant 122 : i32
      %scan3A_279 = arith.addi %scan3A_246, %scan3A_278 : i32
      %mul3A_280 = arith.constant 16 : i32
      %mul3A_281 = arith.muli %scan3A_279, %mul3A_280 : i32
      %get3A_282 = arith.index_cast %mul3A_281 : i32 to index
      %get3A_283 = tpu.vector_load %arg12[%get3A_282] {strides = array<i32>} : memref<2000xi32, #tpu.memory_space<vmem>>, vector<16xi32>,
      %get3A_284 = arith.index_cast %mul3A_281 : i32 to index
      %get3A_285 = tpu.vector_load %arg15[%get3A_284] {strides = array<i32>} : memref<2000xf32, #tpu.memory_space<vmem>>, vector<16xf32>,
      %shift_right_logical3A_286 = arith.constant 7 : i32
      %shift_right_logical3A_287 = vector.broadcast %shift_right_logical3A_286 : i32 to vector<16xi32>
      %shift_right_logical3A_288 = arith.shrui %get3A_283, %shift_right_logical3A_287 : vector<16xi32>
      %and3A_289 = arith.constant 127 : i32
      %and3A_290 = vector.broadcast %and3A_289 : i32 to vector<16xi32>
      %and3A_291 = arith.andi %get3A_283, %and3A_290 : vector<16xi32>
      tpu.vector_store_idx %arg8[%shift_right_logical3A_288, %and3A_291], %get3A_285 {add = true} : memref<392x128xf32, #tpu.memory_space<vmem>>[vector<16xi32>, vector<16xi32>], vector<16xf32>,
      %scan3A_292 = arith.constant 123 : i32
      %scan3A_293 = arith.addi %scan3A_246, %scan3A_292 : i32
      %mul3A_294 = arith.constant 16 : i32
      %mul3A_295 = arith.muli %scan3A_293, %mul3A_294 : i32
      %get3A_296 = arith.index_cast %mul3A_295 : i32 to index
      %get3A_297 = tpu.vector_load %arg12[%get3A_296] {strides = array<i32>} : memref<2000xi32, #tpu.memory_space<vmem>>, vector<16xi32>,
      %get3A_298 = arith.index_cast %mul3A_295 : i32 to index
      %get3A_299 = tpu.vector_load %arg15[%get3A_298] {strides = array<i32>} : memref<2000xf32, #tpu.memory_space<vmem>>, vector<16xf32>,
      %shift_right_logical3A_300 = arith.constant 7 : i32
      %shift_right_logical3A_301 = vector.broadcast %shift_right_logical3A_300 : i32 to vector<16xi32>
      %shift_right_logical3A_302 = arith.shrui %get3A_297, %shift_right_logical3A_301 : vector<16xi32>
      %and3A_303 = arith.constant 127 : i32
      %and3A_304 = vector.broadcast %and3A_303 : i32 to vector<16xi32>
      %and3A_305 = arith.andi %get3A_297, %and3A_304 : vector<16xi32>
      tpu.vector_store_idx %arg8[%shift_right_logical3A_302, %and3A_305], %get3A_299 {add = true} : memref<392x128xf32, #tpu.memory_space<vmem>>[vector<16xi32>, vector<16xi32>], vector<16xf32>,
      %scan3A_306 = arith.constant 124 : i32
      %scan3A_307 = arith.addi %scan3A_246, %scan3A_306 : i32
      %mul3A_308 = arith.constant 16 : i32
      %mul3A_309 = arith.muli %scan3A_307, %mul3A_308 : i32
      %get3A_310 = arith.index_cast %mul3A_309 : i32 to index
      %get3A_311 = tpu.vector_load %arg12[%get3A_310] {strides = array<i32>} : memref<2000xi32, #tpu.memory_space<vmem>>, vector<16xi32>,
      %get3A_312 = arith.index_cast %mul3A_309 : i32 to index
      %get3A_313 = tpu.vector_load %arg15[%get3A_312] {strides = array<i32>} : memref<2000xf32, #tpu.memory_space<vmem>>, vector<16xf32>,
      %shift_right_logical3A_314 = arith.constant 7 : i32
      %shift_right_logical3A_315 = vector.broadcast %shift_right_logical3A_314 : i32 to vector<16xi32>
      %shift_right_logical3A_316 = arith.shrui %get3A_311, %shift_right_logical3A_315 : vector<16xi32>
      %and3A_317 = arith.constant 127 : i32
      %and3A_318 = vector.broadcast %and3A_317 : i32 to vector<16xi32>
      %and3A_319 = arith.andi %get3A_311, %and3A_318 : vector<16xi32>
      tpu.vector_store_idx %arg8[%shift_right_logical3A_316, %and3A_319], %get3A_313 {add = true} : memref<392x128xf32, #tpu.memory_space<vmem>>[vector<16xi32>, vector<16xi32>], vector<16xf32>,
      %scan3A_320 = arith.constant 125 : i32
    }
    %scan3A_24 = arith.constant 12 : i32
    %dma_wait3A = arith.constant 0 : i32
    %dma_wait3A_25 = tpu.memref_slice %arg3[%dma_wait3A] : memref<1600000xf32, #tpu.memory_space<hbm>> -> memref<2000xf32, #tpu.memory_space<hbm>>
    %dma_wait3A_26 = arith.constant 0 : i32
    %dma_wait3A_27 = tpu.memref_slice %arg3[%dma_wait3A_26] : memref<1600000xf32, #tpu.memory_space<hbm>> -> memref<2000xf32, #tpu.memory_space<hbm>>
    tpu.wait_dma2 semaphore(%arg17 : memref<!tpu.dma_semaphore, #tpu.memory_space<semaphore_mem>>) src(%dma_wait3A_27 : memref<2000xf32, #tpu.memory_space<hbm>>) dst(%arg9 : memref<2000xf32, #tpu.memory_space<vmem>>)
    %dma_wait3A_28 = arith.constant 0 : i32
    %dma_wait3A_29 = tpu.memref_slice %arg4[%dma_wait3A_28] : memref<1600000xi32, #tpu.memory_space<hbm>> -> memref<2000xi32, #tpu.memory_space<hbm>>
    %dma_wait3A_30 = arith.constant 0 : i32
    %dma_wait3A_31 = tpu.memref_slice %arg4[%dma_wait3A_30] : memref<1600000xi32, #tpu.memory_space<hbm>> -> memref<2000xi32, #tpu.memory_space<hbm>>
    tpu.wait_dma2 semaphore(%arg17 : memref<!tpu.dma_semaphore, #tpu.memory_space<semaphore_mem>>) src(%dma_wait3A_31 : memref<2000xi32, #tpu.memory_space<hbm>>) dst(%arg11 : memref<2000xi32, #tpu.memory_space<vmem>>)
    %dma_wait3A_32 = arith.constant 0 : i32
    %dma_wait3A_33 = tpu.memref_slice %arg5[%dma_wait3A_32] : memref<1600000xi32, #tpu.memory_space<hbm>> -> memref<2000xi32, #tpu.memory_space<hbm>>
    %dma_wait3A_34 = arith.constant 0 : i32
    %dma_wait3A_35 = tpu.memref_slice %arg5[%dma_wait3A_34] : memref<1600000xi32, #tpu.memory_space<hbm>> -> memref<2000xi32, #tpu.memory_space<hbm>>
    tpu.wait_dma2 semaphore(%arg17 : memref<!tpu.dma_semaphore, #tpu.memory_space<semaphore_mem>>) src(%dma_wait3A_35 : memref<2000xi32, #tpu.memory_space<hbm>>) dst(%arg13 : memref<2000xi32, #tpu.memory_space<vmem>>)
    %parallel_loop3A_36 = arith.constant 0 : i32
    %parallel_loop3A_37 = arith.constant 125 : i32
    %parallel_loop3A_38 = arith.constant 1 : i32
    scf.for %parallel_loop3A_112 = %parallel_loop3A_36 to %parallel_loop3A_37 step %parallel_loop3A_38  : i32 {
      %parallel_loop3A_113 = arith.constant 16 : i32
      %parallel_loop3A_114 = arith.muli %parallel_loop3A_112, %parallel_loop3A_113 : i32
      %parallel_loop3A_115 = arith.index_cast %parallel_loop3A_114 : i32 to index
      %parallel_loop3A_116 = tpu.vector_load %arg9[%parallel_loop3A_115] {strides = array<i32>} : memref<2000xf32, #tpu.memory_space<vmem>>, vector<16xf32>,
      %parallel_loop3A_117 = arith.index_cast %parallel_loop3A_114 : i32 to index
      %parallel_loop3A_118 = tpu.vector_load %arg11[%parallel_loop3A_117] {strides = array<i32>} : memref<2000xi32, #tpu.memory_space<vmem>>, vector<16xi32>,
      %parallel_loop3A_119 = arith.index_cast %parallel_loop3A_114 : i32 to index
      %parallel_loop3A_120 = tpu.vector_load %arg13[%parallel_loop3A_119] {strides = array<i32>} : memref<2000xi32, #tpu.memory_space<vmem>>, vector<16xi32>,
      %parallel_loop3A_121 = tpu.vector_load_idx %arg7[%parallel_loop3A_118] : memref<50000xf32, #tpu.memory_space<vmem>>[vector<16xi32>], vector<16xf32>,
      %parallel_loop3A_122 = tpu.vector_load_idx %arg7[%parallel_loop3A_120] : memref<50000xf32, #tpu.memory_space<vmem>>[vector<16xi32>], vector<16xf32>,
      %parallel_loop3A_123 = arith.mulf %parallel_loop3A_116, %parallel_loop3A_116 : vector<16xf32>
      %parallel_loop3A_124 = arith.constant 1.000000e+00 : f32
      %parallel_loop3A_125 = vector.broadcast %parallel_loop3A_124 : f32 to vector<16xf32>
      %parallel_loop3A_126 = arith.addf %parallel_loop3A_123, %parallel_loop3A_125 : vector<16xf32>
      %parallel_loop3A_127 = vector.bitcast %parallel_loop3A_126 : vector<16xf32> to vector<16xi32>
      %parallel_loop3A_128 = arith.constant 1 : i32
      %parallel_loop3A_129 = vector.broadcast %parallel_loop3A_128 : i32 to vector<16xi32>
      %parallel_loop3A_130 = arith.shrui %parallel_loop3A_127, %parallel_loop3A_129 : vector<16xi32>
      %parallel_loop3A_131 = arith.constant 1597463007 : i32
      %parallel_loop3A_132 = vector.broadcast %parallel_loop3A_131 : i32 to vector<16xi32>
      %parallel_loop3A_133 = arith.subi %parallel_loop3A_132, %parallel_loop3A_130 : vector<16xi32>
      %parallel_loop3A_134 = vector.bitcast %parallel_loop3A_133 : vector<16xi32> to vector<16xf32>
      %parallel_loop3A_135 = arith.constant -5.000000e-01 : f32
      %parallel_loop3A_136 = vector.broadcast %parallel_loop3A_135 : f32 to vector<16xf32>
      %parallel_loop3A_137 = arith.mulf %parallel_loop3A_126, %parallel_loop3A_136 : vector<16xf32>
      %parallel_loop3A_138 = arith.mulf %parallel_loop3A_137, %parallel_loop3A_134 : vector<16xf32>
      %parallel_loop3A_139 = arith.mulf %parallel_loop3A_138, %parallel_loop3A_134 : vector<16xf32>
      %parallel_loop3A_140 = arith.constant 1.500000e+00 : f32
      %parallel_loop3A_141 = vector.broadcast %parallel_loop3A_140 : f32 to vector<16xf32>
      %parallel_loop3A_142 = arith.addf %parallel_loop3A_141, %parallel_loop3A_139 : vector<16xf32>
      %parallel_loop3A_143 = arith.mulf %parallel_loop3A_134, %parallel_loop3A_142 : vector<16xf32>
      %parallel_loop3A_144 = arith.mulf %parallel_loop3A_126, %parallel_loop3A_143 : vector<16xf32>
      %parallel_loop3A_145 = arith.constant 1.000000e+00 : f32
      %parallel_loop3A_146 = vector.broadcast %parallel_loop3A_145 : f32 to vector<16xf32>
      %parallel_loop3A_147 = arith.divf %parallel_loop3A_146, %parallel_loop3A_116 : vector<16xf32>
      %parallel_loop3A_148 = arith.constant 0.0069444445 : f32
      %parallel_loop3A_149 = vector.broadcast %parallel_loop3A_148 : f32 to vector<16xf32>
      %parallel_loop3A_150 = arith.mulf %parallel_loop3A_116, %parallel_loop3A_149 : vector<16xf32>
      %parallel_loop3A_151 = arith.addf %parallel_loop3A_147, %parallel_loop3A_150 : vector<16xf32>
      %parallel_loop3A_152 = arith.constant 0.166666672 : f32
      %parallel_loop3A_153 = vector.broadcast %parallel_loop3A_152 : f32 to vector<16xf32>
      %parallel_loop3A_154 = arith.subf %parallel_loop3A_151, %parallel_loop3A_153 : vector<16xf32>
      %parallel_loop3A_155 = arith.constant 0.0069444445 : f32
      %parallel_loop3A_156 = vector.broadcast %parallel_loop3A_155 : f32 to vector<16xf32>
      %parallel_loop3A_157 = arith.mulf %parallel_loop3A_144, %parallel_loop3A_156 : vector<16xf32>
      %parallel_loop3A_158 = arith.addf %parallel_loop3A_143, %parallel_loop3A_157 : vector<16xf32>
      %parallel_loop3A_159 = arith.constant 0.166666672 : f32
      %parallel_loop3A_160 = vector.broadcast %parallel_loop3A_159 : f32 to vector<16xf32>
      %parallel_loop3A_161 = arith.subf %parallel_loop3A_158, %parallel_loop3A_160 : vector<16xf32>
      %parallel_loop3A_162 = arith.constant 5.000000e-01 : f32
      %parallel_loop3A_163 = vector.broadcast %parallel_loop3A_162 : f32 to vector<16xf32>
      %parallel_loop3A_164 = arith.mulf %parallel_loop3A_116, %parallel_loop3A_163 : vector<16xf32>
      %parallel_loop3A_165 = arith.constant 1.000000e+00 : f32
      %parallel_loop3A_166 = vector.broadcast %parallel_loop3A_165 : f32 to vector<16xf32>
      %parallel_loop3A_167 = arith.minimumf %parallel_loop3A_164, %parallel_loop3A_166 : vector<16xf32>
      %parallel_loop3A_168 = arith.mulf %parallel_loop3A_167, %parallel_loop3A_167 : vector<16xf32>
      %parallel_loop3A_169 = arith.mulf %parallel_loop3A_168, %parallel_loop3A_167 : vector<16xf32>
      %parallel_loop3A_170 = arith.constant 1.500000e+01 : f32
      %parallel_loop3A_171 = vector.broadcast %parallel_loop3A_170 : f32 to vector<16xf32>
      %parallel_loop3A_172 = arith.mulf %parallel_loop3A_171, %parallel_loop3A_167 : vector<16xf32>
      %parallel_loop3A_173 = arith.constant 1.000000e+01 : f32
      %parallel_loop3A_174 = vector.broadcast %parallel_loop3A_173 : f32 to vector<16xf32>
      %parallel_loop3A_175 = arith.subf %parallel_loop3A_174, %parallel_loop3A_172 : vector<16xf32>
      %parallel_loop3A_176 = arith.constant 6.000000e+00 : f32
      %parallel_loop3A_177 = vector.broadcast %parallel_loop3A_176 : f32 to vector<16xf32>
      %parallel_loop3A_178 = arith.mulf %parallel_loop3A_177, %parallel_loop3A_168 : vector<16xf32>
      %parallel_loop3A_179 = arith.addf %parallel_loop3A_175, %parallel_loop3A_178 : vector<16xf32>
      %parallel_loop3A_180 = arith.mulf %parallel_loop3A_169, %parallel_loop3A_179 : vector<16xf32>
      %parallel_loop3A_181 = arith.constant 1.000000e+00 : f32
      %parallel_loop3A_182 = vector.broadcast %parallel_loop3A_181 : f32 to vector<16xf32>
      %parallel_loop3A_183 = arith.subf %parallel_loop3A_182, %parallel_loop3A_180 : vector<16xf32>
      %parallel_loop3A_184 = arith.mulf %parallel_loop3A_121, %parallel_loop3A_122 : vector<16xf32>
      %parallel_loop3A_185 = arith.subf %parallel_loop3A_161, %parallel_loop3A_154 : vector<16xf32>
      %parallel_loop3A_186 = arith.mulf %parallel_loop3A_183, %parallel_loop3A_185 : vector<16xf32>
      %parallel_loop3A_187 = arith.addf %parallel_loop3A_154, %parallel_loop3A_186 : vector<16xf32>
      %parallel_loop3A_188 = arith.mulf %parallel_loop3A_184, %parallel_loop3A_187 : vector<16xf32>
      %parallel_loop3A_189 = arith.constant 1.200000e+01 : f32
      %parallel_loop3A_190 = vector.broadcast %parallel_loop3A_189 : f32 to vector<16xf32>
      %parallel_loop3A_191 = arith.cmpf ole, %parallel_loop3A_116, %parallel_loop3A_190 : vector<16xf32>
      %parallel_loop3A_192 = arith.constant 0.000000e+00 : f32
      %parallel_loop3A_193 = vector.broadcast %parallel_loop3A_192 : f32 to vector<16xf32>
      %parallel_loop3A_194 = arith.select %parallel_loop3A_191, %parallel_loop3A_188, %parallel_loop3A_193 : vector<16xi1>, vector<16xf32>
      %parallel_loop3A_195 = arith.index_cast %parallel_loop3A_114 : i32 to index
      %parallel_loop3A_196 = tpu.vector_load %arg15[%parallel_loop3A_195] {strides = array<i32>} : memref<2000xf32, #tpu.memory_space<vmem>>, vector<16xf32>,
      tpu.vector_store %arg15[%parallel_loop3A_195], %parallel_loop3A_194 {strides = array<i32>} : memref<2000xf32, #tpu.memory_space<vmem>>, vector<16xf32>,
    } {sc.loop_unroll_factor = 4 : i64, sc.parallel_access}
    %scan3A_39 = arith.constant 0 : i32
    %scan3A_40 = arith.constant 0 : i32
    %scan3A_41 = arith.constant 120 : i32
    %scan3A_42 = arith.addi %scan3A_40, %scan3A_41 : i32
    %scan3A_43 = arith.constant 8 : i32
    scf.for %scan3A_112 = %scan3A_40 to %scan3A_42 step %scan3A_43  : i32 {
      %mul3A_113 = arith.constant 16 : i32
      %mul3A_114 = arith.muli %scan3A_112, %mul3A_113 : i32
      %get3A_115 = arith.index_cast %mul3A_114 : i32 to index
      %get3A_116 = tpu.vector_load %arg11[%get3A_115] {strides = array<i32>} : memref<2000xi32, #tpu.memory_space<vmem>>, vector<16xi32>,
      %get3A_117 = arith.index_cast %mul3A_114 : i32 to index
      %get3A_118 = tpu.vector_load %arg15[%get3A_117] {strides = array<i32>} : memref<2000xf32, #tpu.memory_space<vmem>>, vector<16xf32>,
      %shift_right_logical3A_119 = arith.constant 7 : i32
      %shift_right_logical3A_120 = vector.broadcast %shift_right_logical3A_119 : i32 to vector<16xi32>
      %shift_right_logical3A_121 = arith.shrui %get3A_116, %shift_right_logical3A_120 : vector<16xi32>
      %and3A_122 = arith.constant 127 : i32
      %and3A_123 = vector.broadcast %and3A_122 : i32 to vector<16xi32>
      %and3A_124 = arith.andi %get3A_116, %and3A_123 : vector<16xi32>
      tpu.vector_store_idx %arg8[%shift_right_logical3A_121, %and3A_124], %get3A_118 {add = true} : memref<392x128xf32, #tpu.memory_space<vmem>>[vector<16xi32>, vector<16xi32>], vector<16xf32>,
      %scan3A_125 = arith.constant 1 : i32
      %scan3A_126 = arith.addi %scan3A_112, %scan3A_125 : i32
      %mul3A_127 = arith.constant 16 : i32
      %mul3A_128 = arith.muli %scan3A_126, %mul3A_127 : i32
      %get3A_129 = arith.index_cast %mul3A_128 : i32 to index
      %get3A_130 = tpu.vector_load %arg11[%get3A_129] {strides = array<i32>} : memref<2000xi32, #tpu.memory_space<vmem>>, vector<16xi32>,
      %get3A_131 = arith.index_cast %mul3A_128 : i32 to index
      %get3A_132 = tpu.vector_load %arg15[%get3A_131] {strides = array<i32>} : memref<2000xf32, #tpu.memory_space<vmem>>, vector<16xf32>,
      %shift_right_logical3A_133 = arith.constant 7 : i32
      %shift_right_logical3A_134 = vector.broadcast %shift_right_logical3A_133 : i32 to vector<16xi32>
      %shift_right_logical3A_135 = arith.shrui %get3A_130, %shift_right_logical3A_134 : vector<16xi32>
      %and3A_136 = arith.constant 127 : i32
      %and3A_137 = vector.broadcast %and3A_136 : i32 to vector<16xi32>
      %and3A_138 = arith.andi %get3A_130, %and3A_137 : vector<16xi32>
      tpu.vector_store_idx %arg8[%shift_right_logical3A_135, %and3A_138], %get3A_132 {add = true} : memref<392x128xf32, #tpu.memory_space<vmem>>[vector<16xi32>, vector<16xi32>], vector<16xf32>,
      %scan3A_139 = arith.constant 2 : i32
      %scan3A_140 = arith.addi %scan3A_112, %scan3A_139 : i32
      %mul3A_141 = arith.constant 16 : i32
      %mul3A_142 = arith.muli %scan3A_140, %mul3A_141 : i32
      %get3A_143 = arith.index_cast %mul3A_142 : i32 to index
      %get3A_144 = tpu.vector_load %arg11[%get3A_143] {strides = array<i32>} : memref<2000xi32, #tpu.memory_space<vmem>>, vector<16xi32>,
      %get3A_145 = arith.index_cast %mul3A_142 : i32 to index
      %get3A_146 = tpu.vector_load %arg15[%get3A_145] {strides = array<i32>} : memref<2000xf32, #tpu.memory_space<vmem>>, vector<16xf32>,
      %shift_right_logical3A_147 = arith.constant 7 : i32
      %shift_right_logical3A_148 = vector.broadcast %shift_right_logical3A_147 : i32 to vector<16xi32>
      %shift_right_logical3A_149 = arith.shrui %get3A_144, %shift_right_logical3A_148 : vector<16xi32>
      %and3A_150 = arith.constant 127 : i32
      %and3A_151 = vector.broadcast %and3A_150 : i32 to vector<16xi32>
      %and3A_152 = arith.andi %get3A_144, %and3A_151 : vector<16xi32>
      tpu.vector_store_idx %arg8[%shift_right_logical3A_149, %and3A_152], %get3A_146 {add = true} : memref<392x128xf32, #tpu.memory_space<vmem>>[vector<16xi32>, vector<16xi32>], vector<16xf32>,
      %scan3A_153 = arith.constant 3 : i32
      %scan3A_154 = arith.addi %scan3A_112, %scan3A_153 : i32
      %mul3A_155 = arith.constant 16 : i32
      %mul3A_156 = arith.muli %scan3A_154, %mul3A_155 : i32
      %get3A_157 = arith.index_cast %mul3A_156 : i32 to index
      %get3A_158 = tpu.vector_load %arg11[%get3A_157] {strides = array<i32>} : memref<2000xi32, #tpu.memory_space<vmem>>, vector<16xi32>,
      %get3A_159 = arith.index_cast %mul3A_156 : i32 to index
      %get3A_160 = tpu.vector_load %arg15[%get3A_159] {strides = array<i32>} : memref<2000xf32, #tpu.memory_space<vmem>>, vector<16xf32>,
      %shift_right_logical3A_161 = arith.constant 7 : i32
      %shift_right_logical3A_162 = vector.broadcast %shift_right_logical3A_161 : i32 to vector<16xi32>
      %shift_right_logical3A_163 = arith.shrui %get3A_158, %shift_right_logical3A_162 : vector<16xi32>
      %and3A_164 = arith.constant 127 : i32
      %and3A_165 = vector.broadcast %and3A_164 : i32 to vector<16xi32>
      %and3A_166 = arith.andi %get3A_158, %and3A_165 : vector<16xi32>
      tpu.vector_store_idx %arg8[%shift_right_logical3A_163, %and3A_166], %get3A_160 {add = true} : memref<392x128xf32, #tpu.memory_space<vmem>>[vector<16xi32>, vector<16xi32>], vector<16xf32>,
      %scan3A_167 = arith.constant 4 : i32
      %scan3A_168 = arith.addi %scan3A_112, %scan3A_167 : i32
      %mul3A_169 = arith.constant 16 : i32
      %mul3A_170 = arith.muli %scan3A_168, %mul3A_169 : i32
      %get3A_171 = arith.index_cast %mul3A_170 : i32 to index
      %get3A_172 = tpu.vector_load %arg11[%get3A_171] {strides = array<i32>} : memref<2000xi32, #tpu.memory_space<vmem>>, vector<16xi32>,
      %get3A_173 = arith.index_cast %mul3A_170 : i32 to index
      %get3A_174 = tpu.vector_load %arg15[%get3A_173] {strides = array<i32>} : memref<2000xf32, #tpu.memory_space<vmem>>, vector<16xf32>,
      %shift_right_logical3A_175 = arith.constant 7 : i32
      %shift_right_logical3A_176 = vector.broadcast %shift_right_logical3A_175 : i32 to vector<16xi32>
      %shift_right_logical3A_177 = arith.shrui %get3A_172, %shift_right_logical3A_176 : vector<16xi32>
      %and3A_178 = arith.constant 127 : i32
      %and3A_179 = vector.broadcast %and3A_178 : i32 to vector<16xi32>
      %and3A_180 = arith.andi %get3A_172, %and3A_179 : vector<16xi32>
      tpu.vector_store_idx %arg8[%shift_right_logical3A_177, %and3A_180], %get3A_174 {add = true} : memref<392x128xf32, #tpu.memory_space<vmem>>[vector<16xi32>, vector<16xi32>], vector<16xf32>,
      %scan3A_181 = arith.constant 5 : i32
      %scan3A_182 = arith.addi %scan3A_112, %scan3A_181 : i32
      %mul3A_183 = arith.constant 16 : i32
      %mul3A_184 = arith.muli %scan3A_182, %mul3A_183 : i32
      %get3A_185 = arith.index_cast %mul3A_184 : i32 to index
      %get3A_186 = tpu.vector_load %arg11[%get3A_185] {strides = array<i32>} : memref<2000xi32, #tpu.memory_space<vmem>>, vector<16xi32>,
      %get3A_187 = arith.index_cast %mul3A_184 : i32 to index
      %get3A_188 = tpu.vector_load %arg15[%get3A_187] {strides = array<i32>} : memref<2000xf32, #tpu.memory_space<vmem>>, vector<16xf32>,
      %shift_right_logical3A_189 = arith.constant 7 : i32
      %shift_right_logical3A_190 = vector.broadcast %shift_right_logical3A_189 : i32 to vector<16xi32>
      %shift_right_logical3A_191 = arith.shrui %get3A_186, %shift_right_logical3A_190 : vector<16xi32>
      %and3A_192 = arith.constant 127 : i32
      %and3A_193 = vector.broadcast %and3A_192 : i32 to vector<16xi32>
      %and3A_194 = arith.andi %get3A_186, %and3A_193 : vector<16xi32>
      tpu.vector_store_idx %arg8[%shift_right_logical3A_191, %and3A_194], %get3A_188 {add = true} : memref<392x128xf32, #tpu.memory_space<vmem>>[vector<16xi32>, vector<16xi32>], vector<16xf32>,
      %scan3A_195 = arith.constant 6 : i32
      %scan3A_196 = arith.addi %scan3A_112, %scan3A_195 : i32
      %mul3A_197 = arith.constant 16 : i32
      %mul3A_198 = arith.muli %scan3A_196, %mul3A_197 : i32
      %get3A_199 = arith.index_cast %mul3A_198 : i32 to index
      %get3A_200 = tpu.vector_load %arg11[%get3A_199] {strides = array<i32>} : memref<2000xi32, #tpu.memory_space<vmem>>, vector<16xi32>,
      %get3A_201 = arith.index_cast %mul3A_198 : i32 to index
      %get3A_202 = tpu.vector_load %arg15[%get3A_201] {strides = array<i32>} : memref<2000xf32, #tpu.memory_space<vmem>>, vector<16xf32>,
      %shift_right_logical3A_203 = arith.constant 7 : i32
      %shift_right_logical3A_204 = vector.broadcast %shift_right_logical3A_203 : i32 to vector<16xi32>
      %shift_right_logical3A_205 = arith.shrui %get3A_200, %shift_right_logical3A_204 : vector<16xi32>
      %and3A_206 = arith.constant 127 : i32
      %and3A_207 = vector.broadcast %and3A_206 : i32 to vector<16xi32>
      %and3A_208 = arith.andi %get3A_200, %and3A_207 : vector<16xi32>
      tpu.vector_store_idx %arg8[%shift_right_logical3A_205, %and3A_208], %get3A_202 {add = true} : memref<392x128xf32, #tpu.memory_space<vmem>>[vector<16xi32>, vector<16xi32>], vector<16xf32>,
      %scan3A_209 = arith.constant 7 : i32
      %scan3A_210 = arith.addi %scan3A_112, %scan3A_209 : i32
      %mul3A_211 = arith.constant 16 : i32
      %mul3A_212 = arith.muli %scan3A_210, %mul3A_211 : i32
      %get3A_213 = arith.index_cast %mul3A_212 : i32 to index
      %get3A_214 = tpu.vector_load %arg11[%get3A_213] {strides = array<i32>} : memref<2000xi32, #tpu.memory_space<vmem>>, vector<16xi32>,
      %get3A_215 = arith.index_cast %mul3A_212 : i32 to index
      %get3A_216 = tpu.vector_load %arg15[%get3A_215] {strides = array<i32>} : memref<2000xf32, #tpu.memory_space<vmem>>, vector<16xf32>,
      %shift_right_logical3A_217 = arith.constant 7 : i32
      %shift_right_logical3A_218 = vector.broadcast %shift_right_logical3A_217 : i32 to vector<16xi32>
      %shift_right_logical3A_219 = arith.shrui %get3A_214, %shift_right_logical3A_218 : vector<16xi32>
      %and3A_220 = arith.constant 127 : i32
      %and3A_221 = vector.broadcast %and3A_220 : i32 to vector<16xi32>
      %and3A_222 = arith.andi %get3A_214, %and3A_221 : vector<16xi32>
      tpu.vector_store_idx %arg8[%shift_right_logical3A_219, %and3A_222], %get3A_216 {add = true} : memref<392x128xf32, #tpu.memory_space<vmem>>[vector<16xi32>, vector<16xi32>], vector<16xf32>,
    }
    %scan3A_44 = arith.constant 120 : i32
    %scan3A_45 = arith.addi %scan3A_40, %scan3A_44 : i32
    %mul3A_46 = arith.constant 16 : i32
    %mul3A_47 = arith.muli %scan3A_45, %mul3A_46 : i32
    %get3A = arith.index_cast %mul3A_47 : i32 to index
    %get3A_48 = tpu.vector_load %arg11[%get3A] {strides = array<i32>} : memref<2000xi32, #tpu.memory_space<vmem>>, vector<16xi32>,
    %get3A_49 = arith.index_cast %mul3A_47 : i32 to index
    %get3A_50 = tpu.vector_load %arg15[%get3A_49] {strides = array<i32>} : memref<2000xf32, #tpu.memory_space<vmem>>, vector<16xf32>,
    %shift_right_logical3A = arith.constant 7 : i32
    %shift_right_logical3A_51 = vector.broadcast %shift_right_logical3A : i32 to vector<16xi32>
    %shift_right_logical3A_52 = arith.shrui %get3A_48, %shift_right_logical3A_51 : vector<16xi32>
    %and3A = arith.constant 127 : i32
    %and3A_53 = vector.broadcast %and3A : i32 to vector<16xi32>
    %and3A_54 = arith.andi %get3A_48, %and3A_53 : vector<16xi32>
    tpu.vector_store_idx %arg8[%shift_right_logical3A_52, %and3A_54], %get3A_50 {add = true} : memref<392x128xf32, #tpu.memory_space<vmem>>[vector<16xi32>, vector<16xi32>], vector<16xf32>,
    %scan3A_55 = arith.constant 121 : i32
    %scan3A_56 = arith.addi %scan3A_40, %scan3A_55 : i32
    %mul3A_57 = arith.constant 16 : i32
    %mul3A_58 = arith.muli %scan3A_56, %mul3A_57 : i32
    %get3A_59 = arith.index_cast %mul3A_58 : i32 to index
    %get3A_60 = tpu.vector_load %arg11[%get3A_59] {strides = array<i32>} : memref<2000xi32, #tpu.memory_space<vmem>>, vector<16xi32>,
    %get3A_61 = arith.index_cast %mul3A_58 : i32 to index
    %get3A_62 = tpu.vector_load %arg15[%get3A_61] {strides = array<i32>} : memref<2000xf32, #tpu.memory_space<vmem>>, vector<16xf32>,
    %shift_right_logical3A_63 = arith.constant 7 : i32
    %shift_right_logical3A_64 = vector.broadcast %shift_right_logical3A_63 : i32 to vector<16xi32>
    %shift_right_logical3A_65 = arith.shrui %get3A_60, %shift_right_logical3A_64 : vector<16xi32>
    %and3A_66 = arith.constant 127 : i32
    %and3A_67 = vector.broadcast %and3A_66 : i32 to vector<16xi32>
    %and3A_68 = arith.andi %get3A_60, %and3A_67 : vector<16xi32>
    tpu.vector_store_idx %arg8[%shift_right_logical3A_65, %and3A_68], %get3A_62 {add = true} : memref<392x128xf32, #tpu.memory_space<vmem>>[vector<16xi32>, vector<16xi32>], vector<16xf32>,
    %scan3A_69 = arith.constant 122 : i32
    %scan3A_70 = arith.addi %scan3A_40, %scan3A_69 : i32
    %mul3A_71 = arith.constant 16 : i32
    %mul3A_72 = arith.muli %scan3A_70, %mul3A_71 : i32
    %get3A_73 = arith.index_cast %mul3A_72 : i32 to index
    %get3A_74 = tpu.vector_load %arg11[%get3A_73] {strides = array<i32>} : memref<2000xi32, #tpu.memory_space<vmem>>, vector<16xi32>,
    %get3A_75 = arith.index_cast %mul3A_72 : i32 to index
    %get3A_76 = tpu.vector_load %arg15[%get3A_75] {strides = array<i32>} : memref<2000xf32, #tpu.memory_space<vmem>>, vector<16xf32>,
    %shift_right_logical3A_77 = arith.constant 7 : i32
    %shift_right_logical3A_78 = vector.broadcast %shift_right_logical3A_77 : i32 to vector<16xi32>
    %shift_right_logical3A_79 = arith.shrui %get3A_74, %shift_right_logical3A_78 : vector<16xi32>
    %and3A_80 = arith.constant 127 : i32
    %and3A_81 = vector.broadcast %and3A_80 : i32 to vector<16xi32>
    %and3A_82 = arith.andi %get3A_74, %and3A_81 : vector<16xi32>
    tpu.vector_store_idx %arg8[%shift_right_logical3A_79, %and3A_82], %get3A_76 {add = true} : memref<392x128xf32, #tpu.memory_space<vmem>>[vector<16xi32>, vector<16xi32>], vector<16xf32>,
    %scan3A_83 = arith.constant 123 : i32
    %scan3A_84 = arith.addi %scan3A_40, %scan3A_83 : i32
    %mul3A_85 = arith.constant 16 : i32
    %mul3A_86 = arith.muli %scan3A_84, %mul3A_85 : i32
    %get3A_87 = arith.index_cast %mul3A_86 : i32 to index
    %get3A_88 = tpu.vector_load %arg11[%get3A_87] {strides = array<i32>} : memref<2000xi32, #tpu.memory_space<vmem>>, vector<16xi32>,
    %get3A_89 = arith.index_cast %mul3A_86 : i32 to index
    %get3A_90 = tpu.vector_load %arg15[%get3A_89] {strides = array<i32>} : memref<2000xf32, #tpu.memory_space<vmem>>, vector<16xf32>,
    %shift_right_logical3A_91 = arith.constant 7 : i32
    %shift_right_logical3A_92 = vector.broadcast %shift_right_logical3A_91 : i32 to vector<16xi32>
    %shift_right_logical3A_93 = arith.shrui %get3A_88, %shift_right_logical3A_92 : vector<16xi32>
    %and3A_94 = arith.constant 127 : i32
    %and3A_95 = vector.broadcast %and3A_94 : i32 to vector<16xi32>
    %and3A_96 = arith.andi %get3A_88, %and3A_95 : vector<16xi32>
    tpu.vector_store_idx %arg8[%shift_right_logical3A_93, %and3A_96], %get3A_90 {add = true} : memref<392x128xf32, #tpu.memory_space<vmem>>[vector<16xi32>, vector<16xi32>], vector<16xf32>,
    %scan3A_97 = arith.constant 124 : i32
    %scan3A_98 = arith.addi %scan3A_40, %scan3A_97 : i32
    %mul3A_99 = arith.constant 16 : i32
    %mul3A_100 = arith.muli %scan3A_98, %mul3A_99 : i32
    %get3A_101 = arith.index_cast %mul3A_100 : i32 to index
    %get3A_102 = tpu.vector_load %arg11[%get3A_101] {strides = array<i32>} : memref<2000xi32, #tpu.memory_space<vmem>>, vector<16xi32>,
    %get3A_103 = arith.index_cast %mul3A_100 : i32 to index
    %get3A_104 = tpu.vector_load %arg15[%get3A_103] {strides = array<i32>} : memref<2000xf32, #tpu.memory_space<vmem>>, vector<16xf32>,
    %shift_right_logical3A_105 = arith.constant 7 : i32
    %shift_right_logical3A_106 = vector.broadcast %shift_right_logical3A_105 : i32 to vector<16xi32>
    %shift_right_logical3A_107 = arith.shrui %get3A_102, %shift_right_logical3A_106 : vector<16xi32>
    %and3A_108 = arith.constant 127 : i32
    %and3A_109 = vector.broadcast %and3A_108 : i32 to vector<16xi32>
    %and3A_110 = arith.andi %get3A_102, %and3A_109 : vector<16xi32>
    tpu.vector_store_idx %arg8[%shift_right_logical3A_107, %and3A_110], %get3A_104 {add = true} : memref<392x128xf32, #tpu.memory_space<vmem>>[vector<16xi32>, vector<16xi32>], vector<16xf32>,
    %scan3A_111 = arith.constant 125 : i32
    "tpu.region"() ({
      %run_scoped3A = tpu.sem_alloc : memref<!tpu.dma_semaphore, #tpu.memory_space<semaphore_mem>>
      %dma_start3A_112 = arith.constant 0 : i32
      %dma_start3A_113 = arith.constant 0 : i32
      %dma_start3A_114 = tpu.memref_slice %arg6[%add3A, %dma_start3A_112, %dma_start3A_113] : memref<32x392x128xf32, #tpu.memory_space<hbm>> -> memref<1x392x128xf32, #tpu.memory_space<hbm>>
      %dma_start3A_115 = tpu.memref_squeeze %dma_start3A_114 : memref<1x392x128xf32, #tpu.memory_space<hbm>> -> memref<392x128xf32, #tpu.memory_space<hbm>>
      %dma_start3A_116 = arith.constant 0 : i32
      %dma_start3A_117 = arith.constant 0 : i32
      %dma_start3A_118 = tpu.memref_slice %arg6[%add3A, %dma_start3A_116, %dma_start3A_117] : memref<32x392x128xf32, #tpu.memory_space<hbm>> -> memref<1x392x128xf32, #tpu.memory_space<hbm>>
      %dma_start3A_119 = tpu.memref_squeeze %dma_start3A_118 : memref<1x392x128xf32, #tpu.memory_space<hbm>> -> memref<392x128xf32, #tpu.memory_space<hbm>>
      tpu.enqueue_dma source(%arg8 : memref<392x128xf32, #tpu.memory_space<vmem>>) target(%dma_start3A_119 : memref<392x128xf32, #tpu.memory_space<hbm>>) target_semaphore(%run_scoped3A : memref<!tpu.dma_semaphore, #tpu.memory_space<semaphore_mem>>)
      %dma_wait3A_120 = arith.constant 0 : i32
      %dma_wait3A_121 = arith.constant 0 : i32
      %dma_wait3A_122 = tpu.memref_slice %arg6[%add3A, %dma_wait3A_120, %dma_wait3A_121] : memref<32x392x128xf32, #tpu.memory_space<hbm>> -> memref<1x392x128xf32, #tpu.memory_space<hbm>>
      %dma_wait3A_123 = tpu.memref_squeeze %dma_wait3A_122 : memref<1x392x128xf32, #tpu.memory_space<hbm>> -> memref<392x128xf32, #tpu.memory_space<hbm>>
      %dma_wait3A_124 = arith.constant 0 : i32
      %dma_wait3A_125 = arith.constant 0 : i32
      %dma_wait3A_126 = tpu.memref_slice %arg6[%add3A, %dma_wait3A_124, %dma_wait3A_125] : memref<32x392x128xf32, #tpu.memory_space<hbm>> -> memref<1x392x128xf32, #tpu.memory_space<hbm>>
      %dma_wait3A_127 = tpu.memref_squeeze %dma_wait3A_126 : memref<1x392x128xf32, #tpu.memory_space<hbm>> -> memref<392x128xf32, #tpu.memory_space<hbm>>
      tpu.wait_dma2 semaphore(%run_scoped3A : memref<!tpu.dma_semaphore, #tpu.memory_space<semaphore_mem>>) src(%arg8 : memref<392x128xf32, #tpu.memory_space<vmem>>) dst(%dma_wait3A_127 : memref<392x128xf32, #tpu.memory_space<hbm>>)
      tpu.yield
    }) : () -> ()
    return
  }
}

module attributes {stable_mosaic.version = 14 : i64} {
  func.func @_reduce_body(%arg0: memref<32x392x128xf32, #tpu.memory_space<vmem>>, %arg1: memref<392x128xf32, #tpu.memory_space<vmem>>) attributes {dimension_semantics = [], scalar_prefetch = 0 : i64, scratch_operands = 0 : i64, tpu.core_type = #tpu.core_type<tc>} {
    %get3A = arith.constant 0 : index
    %get3A_0 = arith.constant 0 : index
    %get3A_1 = arith.constant 0 : index
    %get3A_2 = vector.load %arg0[%get3A, %get3A_0, %get3A_1] : memref<32x392x128xf32, #tpu.memory_space<vmem>>, vector<32x392x128xf32>
    %reduce_sum3A = arith.constant dense<0.000000e+00> : vector<392x128xf32>
    %reduce_sum3A_3 = vector.multi_reduction <add>, %get3A_2, %reduce_sum3A [0] : vector<32x392x128xf32> to vector<392x128xf32>
    %mul3A = arith.constant 7.1998229 : f32
    %mul3A_4 = vector.broadcast %mul3A : f32 to vector<392x128xf32>
    %mul3A_5 = arith.mulf %mul3A_4, %reduce_sum3A_3 : vector<392x128xf32>
    %swap3A = arith.constant 0 : index
    %swap3A_6 = arith.constant 0 : index
    %swap3A_7 = vector.load %arg1[%swap3A, %swap3A_6] : memref<392x128xf32, #tpu.memory_space<vmem>>, vector<392x128xf32>
    tpu.vector_store %arg1[%swap3A, %swap3A_6], %mul3A_5 {strides = array<i32>} : memref<392x128xf32, #tpu.memory_space<vmem>>, vector<392x128xf32>,
    return
  }
}

</mosaic_0001>

<sc_bundles>
// kernel: kernel.4.cloned.1.call-start
scs
__scs_entry_jumppad:
0x0: {  	(pc) =	sbr.rel $0x88, $3  }
0x1: {  	(tag) =	ssettag $0x0;
	lr =	simm.s32 $0x1  }
0x2: {  	[smem:$0x3F9D] =	sst lr;
	_ =	strace $0xD0000000  }
0x3: {  	_ = 	snop  }
0x4: {  	_ = 	snop  }
0x5: {  	_ = 	snop  }
0x6: {  	_ = 	snop  }
0x7: {  	_ = 	snop  }
__scs_overlays_trampoline_lowered:
0x8: {  	[smem:$0x3FAC] =	sst s0  }
0x9: {  	[smem:$0x3FAD] =	sst s1  }
0xa: {  	[smem:$0x3FAE] =	sst s2  }
0xb: {  	[smem:$0x3FAF] =	sst s3  }
0xc: {  	[smem:$0x3FB0] =	sst s4  }
0xd: {  	[smem:$0x3FB1] =	sst s5  }
0xe: {  	[smem:$0x3FB2] =	sst s6  }
0xf: {  	[smem:$0x3FB3] =	sst s7  }
0x10: {  	[smem:$0x3FB4] =	sst s8  }
0x11: {  	[smem:$0x3FB5] =	sst s9;
	s0 =	simm.s32 @!p0 $0x0  }
0x12: {  	s1 =	sld [smem:$0x3F9B];
	s0 =	simm.s32 @p0 $0x1  }
0x13: {  	[smem:$0x3FB6] =	sst s0;
	s0 =	simm.s32 @!p1 $0x0  }
0x14: {  	s2 =	sld [smem:$0x3F9A];
	s0 =	simm.s32 @p1 $0x1  }
0x15: {  	[smem:$0x3FB7] =	sst s0;
	s0 =	simm.s32 @!p2 $0x0  }
0x16: {  	s3 =	sld [smem:$0x3FDB];
	s0 =	simm.s32 @p2 $0x1  }
0x17: {  	s4 =	simm.s32 $0x1BF5;
	[smem:$0x3FB9] =	sst s0  }
0x18: {  	s0 =	sld [smem:$0x3F9C];
	_ =	swait.ge [sflag:s4], $0x0  }
0x19: {  	s7 =	sld [smem:$0x3F9D]  }
0x1a: {  	s8 =	sadd.s32 $0xFFFFE003, lr  }
0x1b: {  	s9 =	sadd.s32 $0xFFFFFEF7, lr;
	s5 =	simm.s32 $0xFFFFFFFF;
	p2 =	slt.u32 s8, $0xFFFFF086  }
0x1c: {  	p1 =	slt.u32 s9, $0xF7A;
	s5 =	simm.s32 @!p2 $0x0  }
0x1d: {  	s5 =	simm.s32 @p1 $0x1;
	p0 =	seq.s32 s7, s2  }
0x1e: {  	s7 =	smul.u32 @!p0 $0xF7A, s2;
	p2 =	seq.s32 @!p0 s5, $0x0  }
0x1f: {  	s9 =	smul.u32 $0xF7A, s1;
	s8 =	simm.s32 @!p0 $0x1BF5;
	p2 =	por !p2, p0  }
0x20: {  	[sflag:s8] =	ssyncset.s32 @!p0 $0xFFFFF086;
	s6 =	sadd.s32 @!p0 s3, s7;
	s7 =	simm.s32 @!p0 $0x108  }
0x21: {  	s3 =	sadd.s32 s3, s9;
	s6 =	sadd.s32 @!p0 $0x88, s6;
	s7 =	simm.s32 @p2 $0x1082  }
0x22: {  	[simem:s7], [sflag:s8] =	dma.local @!p0 [hbm:s6], $0xF7A  }
0x23: {  	s9 =	sor.u32 $0xD0000000, s2;
	s6 =	simm.s32 $0x108;
	_ =	swait.ge @!p0 [sflag:s8], $0x0  }
0x24: {  	s3 =	sadd.s32 $0x88, s3;
	s6 =	simm.s32 @!p1 $0x1082;
	[sflag:s4] =	ssyncset.s32 $0xFFFFF086  }
0x25: {  	[simem:s6], [sflag:s4] =	dma.local [hbm:s3], $0xF7A  }
0x26: {  	[smem:$0x3F9D] =	sst s1;
	(tag) =	ssettag s2;
	_ =	strace s9  }
0x27: {  	s1 =	sld [smem:$0x3FAD]  }
0x28: {  	s2 =	sld [smem:$0x3FAE]  }
0x29: {  	s4 =	sld [smem:$0x3FB0]  }
0x2a: {  	p0 =	seq.s32 s5, $0x0;
	s5 =	sld [smem:$0x3FB1]  }
0x2b: {  	s6 =	sld [smem:$0x3FB2]  }
0x2c: {  	s7 =	sld [smem:$0x3FB3]  }
0x2d: {  	s3 =	simm.s32 $0x108;
	s8 =	sld [smem:$0x3FB4]  }
0x2e: {  	s3 =	simm.s32 @!p0 $0x1082;
	s9 =	sld [smem:$0x3FB5]  }
0x2f: {  	lr =	sadd.s32 s0, s3;
	s0 =	sld [smem:$0x3FAC]  }
0x30: {  	s3 =	sld [smem:$0x3FAF]  }
0x31: {  	[smem:$0x3FB8] =	sst s10  }
0x32: {  	s10 =	sld [smem:$0x3FB6];
	_ =	sdelay $0x3  }
0x33: {  	p0 =	seq.s32 s10, $0x1;
	s10 =	sld [smem:$0x3FB8];
	_ =	sdelay $0x3  }
0x34: {  	[smem:$0x3FB8] =	sst s10  }
0x35: {  	s10 =	sld [smem:$0x3FB7];
	_ =	sdelay $0x3  }
0x36: {  	p1 =	seq.s32 s10, $0x1;
	s10 =	sld [smem:$0x3FB8];
	_ =	sdelay $0x3  }
0x37: {  	[smem:$0x3FB8] =	sst s10  }
0x38: {  	s10 =	sld [smem:$0x3FB9]  }
0x39: {  	_ = 	snop;
	(pc) =	sbr.ind lr, $3  }
0x3a: {  	_ = 	snop  }
0x3b: {  	_ = 	snop  }
0x3c: {  	p2 =	seq.s32 s10, $0x1;
	s10 =	sld [smem:$0x3FB8]  }
0x3d: {  	_ =	shalt  }
0x3e: {  	_ =	shalt  }
0x3f: {  	_ =	shalt  }
0x40: {  	_ =	shalt  }
0x41: {  	_ =	shalt  }
0x42: {  	_ =	shalt  }
0x43: {  	_ =	shalt  }
0x44: {  	_ =	shalt  }
0x45: {  	_ =	shalt  }
0x46: {  	_ =	shalt  }
0x47: {  	_ =	shalt  }
0x48: {  	_ =	shalt  }
0x49: {  	_ =	shalt  }
0x4a: {  	_ =	shalt  }
0x4b: {  	_ =	shalt  }
0x4c: {  	_ =	shalt  }
0x4d: {  	_ =	shalt  }
0x4e: {  	_ =	shalt  }
0x4f: {  	_ =	shalt  }
0x50: {  	_ =	shalt  }
0x51: {  	_ =	shalt  }
0x52: {  	_ =	shalt  }
0x53: {  	_ =	shalt  }
0x54: {  	_ =	shalt  }
0x55: {  	_ =	shalt  }
0x56: {  	_ =	shalt  }
0x57: {  	_ =	shalt  }
0x58: {  	_ =	shalt  }
0x59: {  	_ =	shalt  }
0x5a: {  	_ =	shalt  }
0x5b: {  	_ =	shalt  }
0x5c: {  	_ =	shalt  }
0x5d: {  	_ =	shalt  }
0x5e: {  	_ =	shalt  }
0x5f: {  	_ =	shalt  }
0x60: {  	_ =	shalt  }
0x61: {  	_ =	shalt  }
0x62: {  	_ =	shalt  }
0x63: {  	_ =	shalt  }
0x64: {  	_ =	shalt  }
0x65: {  	_ =	shalt  }
0x66: {  	_ =	shalt  }
0x67: {  	_ =	shalt  }
0x68: {  	_ =	shalt  }
0x69: {  	_ =	shalt  }
0x6a: {  	_ =	shalt  }
0x6b: {  	_ =	shalt  }
0x6c: {  	_ =	shalt  }
0x6d: {  	_ =	shalt  }
0x6e: {  	_ =	shalt  }
0x6f: {  	_ =	shalt  }
0x70: {  	_ =	shalt  }
0x71: {  	_ =	shalt  }
0x72: {  	_ =	shalt  }
0x73: {  	_ =	shalt  }
0x74: {  	_ =	shalt  }
0x75: {  	_ =	shalt  }
0x76: {  	_ =	shalt  }
0x77: {  	_ =	shalt  }
0x78: {  	_ =	shalt  }
0x79: {  	_ =	shalt  }
0x7a: {  	_ =	shalt  }
0x7b: {  	_ =	shalt  }
0x7c: {  	_ =	shalt  }
0x7d: {  	_ =	shalt  }
0x7e: {  	_ =	shalt  }
0x7f: {  	_ =	shalt  }
0x80: {  	_ =	shalt  }
0x81: {  	_ =	shalt  }
0x82: {  	_ =	shalt  }
0x83: {  	_ =	shalt  }
0x84: {  	_ =	shalt  }
0x85: {  	_ =	shalt  }
0x86: {  	_ =	shalt  }
0x87: {  	_ =	shalt  }
.Lfunc_end0:
.L_simem_size_0:
called_computation_lowered:
.L_overlay_start_0:
0x88: {  	s2 =	sld [smem:$0x3FD9]  }
0x89: {  	s3 =	sld [smem:$0x3FFE];
	_ =	sdelay $0x1  }
0x8a: {  	s1 =	srdreg.scid  }
0x8b: {  	s0 =	sand.u32 $0x1, s1  }
0x8c: {  	s17 =	sshll.u32 s0, $0xA;
	s2 =	sadd.s32 s3, s2  }
0x8d: {  	s2 =	sadd.s32 s2, s17  }
0x8e: {  	[smem:$0x3FC4] =	sst s2  }
0x8f: {  	_ = 	snop  }
0x90: {  	s2 =	sld [smem:$0x3FC9]  }
0x91: {  	s18 =	sld [smem:$0x3FC8]  }
0x92: {  	s4 =	sld [smem:$0x3FC7]  }
0x93: {  	s5 =	sld [smem:$0x3FC6];
	(tm) =	ssettm $0x1  }
0x94: {  	s6 =	sld [smem:$0x3FFB];
	_ =	sdelay $0x3  }
0x95: {  	_ =	strace s6  }
0x96: {  	s6 =	sld [smem:$0x3FFC];
	_ =	sdelay $0x3  }
0x97: {  	_ =	strace s6  }
0x98: {  	s6 =	sld [smem:$0x3FFD];
	_ =	sdelay $0x3  }
0x99: {  	_ =	strace s6  }
0x9a: {  	_ =	strace $0x8FFFFFFF  }
0x9b: {  	s19 =	sld [smem:$0x3FDB];
	_ =	sdelay $0x1  }
0x9c: {  	s7 =	simm.s32 $_scs_section_size  }
0x9d: {  	s8 =	simm.s32 $_size__tile_overlayer_lowered;
	s9 =	simm.s32 $_tile_overlayer_lowered  }
0x9e: {  	s22 =	simm.s32 $0x1BFF;
	s21 =	sshll.u32 s9, $0x1;
	s6 =	sadd.s32 s7, s19  }
0x9f: {  	s10 =	simm.s32 $0x0;
	s20 =	sshll.u32 s8, $0x1;
	s8 =	sadd.s32 s21, s6  }
0xa0: {  	[timem:s10], [sflag:s22] =	dma.local [hbm:s8], s20  }
0xa1: {  	_ =	swait.ge [sflag:s22], s20  }
0xa2: {  	s7 =	ssub.s32 $0x0, s20;
	[sflag:s22] =	ssyncset.done $0x0  }
0xa3: {  	[sflag:s22] =	ssyncadd.s32 s7;
	_ =	sdelay $0x1  }
0xa4: {  	s23 =	simm.s32 $0x1B8B  }
0xa5: {  	_ =	swait.ge [sflag:s23], $0x1  }
0xa6: {  	[sflag:s23] =	ssyncset.done $0x0  }
0xa7: {  	s25 =	simm.s32 $0x1B8E;
	s24 =	sld [smem:$0x3FFE];
	[sflag:s23] =	ssyncadd.s32 $0xFFFFFFFF  }
0xa8: {  	s26 =	simm.s32 $execute0_lowered;
	[smem:$0x3FD2] =	sst s25  }
0xa9: {  	s8 =	sshll.u32 s26, $0x1;
	_ =	strace $0x80000046;
	[dreg:$0x1] =	wrdreg $0xFFFFFFFF  }
0xaa: {  	s28 =	simm.s32 $_size_execute0_lowered;
	s6 =	sadd.s32 s6, s8;
	[dreg:$0x0] =	wrdreg $0x0  }
0xab: {  	s8 =	sshll.u32 s28, $0x1;
	[dreg:$0x2] =	wrdreg s6  }
0xac: {  	[dreg:$0x3] =	wrdreg s8  }
0xad: {  	[dreg:$0x4] =	wrdreg $0xC0  }
0xae: {  	_ =	task [dreg:s10], $0x5FFFF  }
0xaf: {  	[dreg:$0x1] =	wrdreg $0xFFFFFFFF  }
0xb0: {  	[dreg:$0x0] =	wrdreg $0x60  }
0xb1: {  	[dreg:$0x2] =	wrdreg s2  }
0xb2: {  	[dreg:$0x3] =	wrdreg s18  }
0xb3: {  	[dreg:$0x4] =	wrdreg s4  }
0xb4: {  	[dreg:$0x5] =	wrdreg s5  }
0xb5: {  	[dreg:$0x6] =	wrdreg s24  }
0xb6: {  	[dreg:$0x7] =	wrdreg $0x9  }
0xb7: {  	_ =	task.clear_ibuf [dreg:s10], $0x8FFFF;
	_ =	strace $0x90000046  }
0xb8: {  	s29 =	simm.s32 $0x9;
	_ =	strace $0x80000048  }
0xb9: {  	_ =	swait.ge [sflag:s29], $0x1  }
0xba: {  	[sflag:s29] =	ssyncadd.s32 $0xFFFFFFFF  }
0xbb: {  	_ =	strace $0x90000048  }
0xbc: {  	_ =	sfence  }
0xbd: {  	s30 =	sld [smem:$0x0];
	_ =	sdelay $0x2  }
0xbe: {  	s31 =	sshll.u32 s1, $0xD;
	s1 =	sshrl.u32 s1, $0x2  }
0xbf: {  	s3 =	sand.u32 $0x4000, s31;
	s1 =	sadd.s32 s1, s30  }
0xc0: {  	s0 =	sor.u32 s3, s0;
	s1 =	sshll.u32 s1, $0x11  }
0xc1: {  	s0 =	sor.u32 s1, s0  }
0xc2: {  	s0 =	sadd.s32 $0x8F2B, s0  }
0xc3: {  	[sflag:s0] =	ssyncadd.remote.s32 $0x1  }
0xc4: {  	_ =	sfence.sel $0xFFFF  }
0xc5: {  	[dreg:$0x0] =	wrdreg $0xFFFFFFFF;
	(pc) =	sbr.abs _section_cstart, $3  }
0xc6: {  	[dreg:$0x1] =	wrdreg $0xFFFFFFFF  }
0xc7: {  	_ =	task.clear_ibuf [dreg:s10], $0x2FFFF;
	_ =	strace $0x9FFFFFFF  }
0xc8: {  	(tm) =	ssettm $0x7FFFFFFF  }
0xc9: {  	_ =	shalt  }
tec
execute0_lowered:
.L_overlay_start_1:
0x0: {  	(tag) =	ssettag $0x1  }
0x1: {  	s2 =	rddreg [dreg:$0x1]  }
0x2: {  	s3 =	rddreg [dreg:$0x2];
	s0 =	srdreg.scid  }
0x3: {  	s1 =	stileid.u32;
	s5 =	rddreg [dreg:$0x3]  }
0x4: {  	s4 =	rddreg [dreg:$0x4];
	s6 =	simm.s32 $0x0;
	s14 =	simm.s32 $0x18750  }
0x5: {  	s15 =	simm.s32 $0x196F0;
	s16 =	simm.s32 $0x1A690;
	s17 =	simm.s32 $0x1  }
0x6: {  	s18 =	simm.s32 $0x18F20;
	s19 =	simm.s32 $0x19EC0;
	s20 =	simm.s32 $0x1AE60  }
0x7: {  	s21 =	simm.s32 $0x2;
	s0 =	sand.u32 $0x1, s0;
	s1 =	sshll.u32 s1, $0x1  }
0x8: {  	s22 =	simm.s32 $0xC350;
	s23 =	simm.s32 $0x3;
	s1 =	sor.u32 s0, s1  }
0x9: {  	s24 =	simm.s32 $0x4;
	s0 =	ssub.s32 $0x2, s0;
	s11 =	smul.u32 $0xC350, s1  }
0xa: {  	[smem:$0x7FF] =	sst s6;
	s1 =	smul.u32 $0x1880, s1;
	s7 =	sshrl.u32 s0, $0x1  }
0xb: {  	s25 =	simm.s32 $0x0;
	_ =	strace $0x80000047;
	s0 =	ssub.s32 s0, s7  }
0xc: {  	s9 =	sshrl.u32 s11, $0x3;
	s1 =	sadd.s32 s1, s4;
	s10 =	sadd.s32 $0x7D0, s11  }
0xd: {  	s11 =	sadd.s32 $0xFA0, s11;
	s13 =	smax.u32 s0, $0x1;
	s7 =	sadd.s32 s2, s9  }
0xe: {  	v0 =	vimm.f32 $0.0e+00;
	s8 =	sadd.s32 s3, s9;
	s9 =	sadd.s32 s5, s9;
	s12 =	sadd.s32 $0x600, s1  }
.LBB2_1:
0xf: {  	s0 =	rddreg [dreg:$0x0]  }
0x10: {  	[tilespmem:s6], [sflag:$0x1] =	stream.linear.gather [hbm4b:s0+s6], $0xC350, $0x38;
	[tilespmem:$0x1BE00] =	vst v63  }
0x11: {  	_ = 	snop  }
0x12: {  	[tilespmem:s14], [sflag:$0x2] =	stream.linear.gather [hbm4b:s7+s6], $0x7D0, $0x38;
	[tilespmem:$0x1BE00] =	vst v63  }
0x13: {  	_ = 	snop  }
0x14: {  	[tilespmem:s15], [sflag:$0x2] =	stream.linear.gather [hbm4b:s8+s6], $0x7D0, $0x38;
	[tilespmem:$0x1BE00] =	vst v63  }
0x15: {  	s0 =	simm.s32 $0xC450  }
0x16: {  	[tilespmem:s16], [sflag:$0x2] =	stream.linear.gather [hbm4b:s9+s6], $0x7D0, $0x38;
	[tilespmem:$0x1BE00] =	vst v63  }
0x17: {  	[tilespmem:s0+$0xFFFFFF00] =	vst v0  }
0x18: {  	[tilespmem:s0+$0xF0] =	vst v0  }
0x19: {  	[tilespmem:s0+$0xE0] =	vst v0  }
0x1a: {  	[tilespmem:s0+$0xD0] =	vst v0  }
0x1b: {  	[tilespmem:s0+$0xC0] =	vst v0  }
0x1c: {  	[tilespmem:s0+$0xB0] =	vst v0  }
0x1d: {  	[tilespmem:s0+$0xA0] =	vst v0  }
0x1e: {  	[tilespmem:s0+$0x90] =	vst v0  }
0x1f: {  	[tilespmem:s0+$0x80] =	vst v0  }
0x20: {  	[tilespmem:s0+$0x70] =	vst v0  }
0x21: {  	[tilespmem:s0+$0x60] =	vst v0  }
0x22: {  	[tilespmem:s0+$0x50] =	vst v0  }
0x23: {  	[tilespmem:s0+$0x40] =	vst v0  }
0x24: {  	[tilespmem:s0+$0x30] =	vst v0  }
0x25: {  	[tilespmem:s0+$0x20] =	vst v0  }
0x26: {  	[tilespmem:s0+$0x10] =	vst v0  }
0x27: {  	[tilespmem:s0+$0x0] =	vst v0  }
0x28: {  	[tilespmem:s0+$0xFFFFFFF0] =	vst v0  }
0x29: {  	[tilespmem:s0+$0xFFFFFFE0] =	vst v0  }
0x2a: {  	[tilespmem:s0+$0xFFFFFFD0] =	vst v0  }
0x2b: {  	[tilespmem:s0+$0xFFFFFFC0] =	vst v0  }
0x2c: {  	[tilespmem:s0+$0xFFFFFFB0] =	vst v0  }
0x2d: {  	[tilespmem:s0+$0xFFFFFFA0] =	vst v0  }
0x2e: {  	[tilespmem:s0+$0xFFFFFF90] =	vst v0  }
0x2f: {  	[tilespmem:s0+$0xFFFFFF80] =	vst v0  }
0x30: {  	[tilespmem:s0+$0xFFFFFF70] =	vst v0  }
0x31: {  	[tilespmem:s0+$0xFFFFFF60] =	vst v0  }
0x32: {  	[tilespmem:s0+$0xFFFFFF50] =	vst v0  }
0x33: {  	[tilespmem:s0+$0xFFFFFF40] =	vst v0  }
0x34: {  	[tilespmem:s0+$0xFFFFFF30] =	vst v0  }
0x35: {  	s1 =	simm.s32 $0x0;
	[tilespmem:s0+$0xFFFFFF20] =	vst v0  }
.LBB2_2:
0x36: {  	s1 =	sadd.s32 $0x4, s1;
	[tilespmem:s0+$0xFFFFFF10] =	vst v0;
	s0 =	sadd.s32 $0x200, s0  }
0x37: {  	[tilespmem:s0+$0xFFFFFF00] =	vst v0;
	p0 =	slt.u32 s1, $0x184  }
0x38: {  	[tilespmem:s0+$0xF0] =	vst v0  }
0x39: {  	[tilespmem:s0+$0xE0] =	vst v0  }
0x3a: {  	[tilespmem:s0+$0xD0] =	vst v0  }
0x3b: {  	[tilespmem:s0+$0xC0] =	vst v0  }
0x3c: {  	[tilespmem:s0+$0xB0] =	vst v0  }
0x3d: {  	[tilespmem:s0+$0xA0] =	vst v0  }
0x3e: {  	[tilespmem:s0+$0x90] =	vst v0  }
0x3f: {  	[tilespmem:s0+$0x80] =	vst v0  }
0x40: {  	[tilespmem:s0+$0x70] =	vst v0  }
0x41: {  	[tilespmem:s0+$0x60] =	vst v0  }
0x42: {  	[tilespmem:s0+$0x50] =	vst v0  }
0x43: {  	[tilespmem:s0+$0x40] =	vst v0  }
0x44: {  	[tilespmem:s0+$0x30] =	vst v0  }
0x45: {  	[tilespmem:s0+$0x20] =	vst v0  }
0x46: {  	[tilespmem:s0+$0x10] =	vst v0  }
0x47: {  	[tilespmem:s0+$0x0] =	vst v0  }
0x48: {  	[tilespmem:s0+$0xFFFFFFF0] =	vst v0  }
0x49: {  	[tilespmem:s0+$0xFFFFFFE0] =	vst v0  }
0x4a: {  	[tilespmem:s0+$0xFFFFFFD0] =	vst v0  }
0x4b: {  	[tilespmem:s0+$0xFFFFFFC0] =	vst v0  }
0x4c: {  	[tilespmem:s0+$0xFFFFFFB0] =	vst v0  }
0x4d: {  	[tilespmem:s0+$0xFFFFFFA0] =	vst v0  }
0x4e: {  	[tilespmem:s0+$0xFFFFFF90] =	vst v0  }
0x4f: {  	[tilespmem:s0+$0xFFFFFF80] =	vst v0  }
0x50: {  	[tilespmem:s0+$0xFFFFFF70] =	vst v0  }
.Ltmp0:
0x51: {  	[tilespmem:s0+$0xFFFFFF60] =	vst v0;
	(pc) =	sbr.rel @p0 .LBB2_2-.Ltmp0, $4  }
0x52: {  	[tilespmem:s0+$0xFFFFFF50] =	vst v0  }
0x53: {  	[tilespmem:s0+$0xFFFFFF40] =	vst v0  }
0x54: {  	[tilespmem:s0+$0xFFFFFF30] =	vst v0  }
0x55: {  	[tilespmem:s0+$0xFFFFFF20] =	vst v0  }
0x56: {  	[tilespmem:s0+$0xFFFFFF10] =	vst v0  }
0x57: {  	_ =	swait.ge [sflag:s17], $0xC350  }
0x58: {  	[sflag:s17] =	ssyncset.done $0x0  }
0x59: {  	s26 =	simm.s32 $0x0;
	[sflag:s17] =	ssyncadd.s32 $0xFFFF3CB0  }
0x5a: {  	[tilespmem:s14], [sflag:$0x2] =	stream.linear.gather [hbm4b:s7+s26], $0x7D0, $0x38;
	[tilespmem:$0x1BE00] =	vst v63  }
0x5b: {  	_ = 	snop  }
0x5c: {  	[tilespmem:s15], [sflag:$0x2] =	stream.linear.gather [hbm4b:s8+s26], $0x7D0, $0x38;
	[tilespmem:$0x1BE00] =	vst v63  }
0x5d: {  	_ = 	snop  }
0x5e: {  	[tilespmem:s16], [sflag:$0x2] =	stream.linear.gather [hbm4b:s9+s26], $0x7D0, $0x38;
	[tilespmem:$0x1BE00] =	vst v63  }
.LBB2_4:
0x5f: {  	s28 =	smul.u32 $0xFA0, s26;
	_ =	sdelay $0x1  }
0x60: {  	s0 =	sadd.s32 s28, s10  }
0x61: {  	s0 =	sshrl.u32 s0, $0x3  }
0x62: {  	s1 =	sadd.s32 s2, s0  }
0x63: {  	[tilespmem:s18], [sflag:$0x3] =	stream.linear.gather [hbm4b:s1+s6], $0x7D0, $0x38;
	[tilespmem:$0x1BE00] =	vst v63  }
0x64: {  	s4 =	sadd.s32 s3, s0  }
0x65: {  	[tilespmem:s19], [sflag:$0x3] =	stream.linear.gather [hbm4b:s4+s6], $0x7D0, $0x38;
	[tilespmem:$0x1BE00] =	vst v63  }
0x66: {  	s0 =	sadd.s32 s5, s0  }
0x67: {  	[tilespmem:s20], [sflag:$0x3] =	stream.linear.gather [hbm4b:s0+s6], $0x7D0, $0x38;
	[tilespmem:$0x1BE00] =	vst v63  }
0x68: {  	_ =	swait.ge [sflag:s21], $0x7D0  }
0x69: {  	[sflag:s21] =	ssyncset.done $0x0  }
0x6a: {  	[sflag:s21] =	ssyncadd.s32 $0xFFFFF830  }
0x6b: {  	_ =	swait.ge [sflag:s21], $0x7D0  }
0x6c: {  	[sflag:s21] =	ssyncset.done $0x0  }
0x6d: {  	[sflag:s21] =	ssyncadd.s32 $0xFFFFF830  }
0x6e: {  	_ =	swait.ge [sflag:s21], $0x7D0  }
0x6f: {  	[sflag:s21] =	ssyncset.done $0x0  }
0x70: {  	s4 =	simm.s32 $0x18770;
	[sflag:s21] =	ssyncadd.s32 $0xFFFFF830  }
0x71: {  	v1 =	vld [tilespmem:s4+$0xFFFFFFF0]  }
0x72: {  	v2 =	vld [tilespmem:s4+$0xFFFFFFE0]  }
0x73: {  	v3 =	vld [tilespmem:s4+$0x10]  }
0x74: {  	v6 =	vld [tilespmem:s4+$0x0];
	_ =	sdelay $0x1  }
0x75: {  	v4 =	vmul.f32 v1, v1;
	v5 =	vmul.f32 $5.000000000e-01, v1  }
0x76: {  	v7 =	vmul.f32 $6.944444500e-03, v1;
	v8 =	vmul.f32 v2, v2  }
0x77: {  	(erf) = vrcp.f32 v1;
	v10 =	vmul.f32 $6.944444500e-03, v2  }
0x78: {  	v14 =	vmul.f32 $5.000000000e-01, v3;
	v17 =	vmul.f32 v6, v6  }
0x79: {  	v18 =	vmul.f32 $5.000000000e-01, v2;
	v19 =	vmul.f32 $5.000000000e-01, v6  }
0x7a: {  	v24 =	vmul.f32 $6.944444500e-03, v6;
	(erf) = vrcp.f32 v6  }
0x7b: {  	v9 =	vadd.f32 $1.000000000e+00, v4;
	v4 =	vmul.f32 v3, v3;
	v8 =	vadd.f32 $1.000000000e+00, v8  }
0x7c: {  	(erf) = vrcp.f32 v3;
	v18 =	vmin.f32 v18, $1.000000000e+00;
	v14 =	vmin.f32 v14, $1.000000000e+00  }
0x7d: {  	v19 =	vmin.f32 v19, $1.000000000e+00;
	v21 =	vmul.f32 $1.500000000e+01, v18;
	v26 =	vmul.f32 $1.500000000e+01, v14  }
0x7e: {  	v31 =	vmin.f32 v5, $1.000000000e+00;
	v50 =	vmul.f32 v19, v19;
	v28 =	vmul.f32 $1.500000000e+01, v19  }
0x7f: {  	v17 =	vadd.f32 $1.000000000e+00, v17;
	v32 =	vmul.f32 v18, v18;
	v34 =	vmul.f32 $1.500000000e+01, v31  }
0x80: {  	v35 =	vmul.f32 v31, v31;
	v11 =	vmul.f32 $5.000000000e-01, v9;
	v12 =	vadd.f32 $1.000000000e+00, v4  }
0x81: {  	v4 =	vmul.f32 $6.944444500e-03, v3;
	v13 =	vshrl.u32 v9, $0x1;
	v15 =	vmul.f32 $5.000000000e-01, v8  }
0x82: {  	v16 =	vshrl.u32 v8, $0x1;
	v22 =	vmul.f32 $5.000000000e-01, v17;
	v30 =	vshrl.u32 v17, $0x1  }
0x83: {  	v16 =	vsub.s32 $0x5F3759DF, v16;
	v13 =	vsub.s32 $0x5F3759DF, v13;
	v33 =	vmul.f32 $6.000000000e+00, v50  }
0x84: {  	v19 =	vmul.f32 v50, v19;
	v20 =	vmul.f32 $5.000000000e-01, v12;
	v25 =	vshrl.u32 v12, $0x1  }
0x85: {  	v54 =	vmul.f32 $6.000000000e+00, v35;
	v15 =	vmul.f32 v16, v15;
	v25 =	vsub.s32 $0x5F3759DF, v25  }
0x86: {  	v30 =	vsub.s32 $0x5F3759DF, v30;
	v11 =	vmul.f32 v13, v11;
	v5 =	vmul.f32 v25, v20  }
0x87: {  	v21 =	vsub.f32 $1.000000000e+01, v21;
	v22 =	vmul.f32 v30, v22;
	v15 =	vmul.f32 v16, v15  }
0x88: {  	v53 =	vsub.f32 $1.000000000e+01, v34;
	v11 =	vmul.f32 v13, v11;
	v23 =	vpop (erf);
	v5 =	vmul.f32 v25, v5  }
0x89: {  	v22 =	vmul.f32 v30, v22;
	v7 =	vadd.f32 v7, v23;
	v23 =	vmul.f32 v14, v14  }
0x8a: {  	(erf) = vrcp.f32 v2;
	v15 =	vsub.f32 $1.500000000e+00, v15;
	v51 =	vsub.f32 $1.500000000e+00, v5  }
0x8b: {  	s1 =	simm.s32 $0x19710;
	v26 =	vsub.f32 $1.000000000e+01, v26;
	v27 =	vpop (erf);
	v11 =	vsub.f32 $1.500000000e+00, v11;
	v29 =	vmul.f32 $6.000000000e+00, v23  }
0x8c: {  	s4 =	simm.s32 $0x1A6B0;
	v52 =	vld [tilespmem:s1+$0x10];
	v22 =	vsub.f32 $1.500000000e+00, v22;
	v20 =	vpop (erf);
	v15 =	vmul.f32 v16, v15;
	v16 =	vmul.f32 v25, v51  }
0x8d: {  	v58 =	vld [tilespmem:s4+$0xFFFFFFE0];
	v4 =	vadd.f32 v4, v20;
	v20 =	vmul.f32 $6.000000000e+00, v32;
	v11 =	vmul.f32 v13, v11  }
0x8e: {  	v55 =	vld [tilespmem:s4+$0x0];
	v24 =	vadd.f32 v24, v27;
	v13 =	vmul.f32 v35, v31;
	v12 =	vmul.f32 v16, v12  }
0x8f: {  	v14 =	vmul.f32 v23, v14;
	v20 =	vadd.f32 v20, v21;
	v21 =	vld [tilespmem:s4+$0xFFFFFFF0];
	v9 =	vmul.f32 v11, v9  }
0x90: {  	v59 =	vld [tilespmem:s1+$0xFFFFFFE0];
	v7 =	vadd.f32 $-1.666666720e-01, v7;
	v8 =	vmul.f32 v15, v8;
	v12 =	vmul.f32 $6.944444500e-03, v12  }
0x91: {  	v56 =	vld [tilespmem:s1+$0x0];
	v22 =	vmul.f32 v30, v22;
	v25 =	vadd.f32 v54, v53;
	v9 =	vmul.f32 $6.944444500e-03, v9  }
0x92: {  	v5 =	vadd.f32 $-1.666666720e-01, v4;
	v23 =	vmul.f32 $6.944444500e-03, v8;
	v12 =	vadd.f32 v12, v16;
	v16 =	vld [tilespmem:s1+$0xFFFFFFF0]  }
0x93: {  	v60 =	vld [tilespmem:s4+$0x10];
	v26 =	vadd.f32 v29, v26;
	v13 =	vmul.f32 v25, v13;
	v57 =	vpop (erf);
	v11 =	vadd.f32 v9, v11  }
0x94: {  	v18 =	vmul.f32 v32, v18;
	v8 =	vld.idx.msk [tilespmem:v52+s6+$0x0], $0xffff;
	v15 =	vadd.f32 v23, v15;
	v10 =	vadd.f32 v10, v57  }
0x95: {  	v17 =	vmul.f32 v22, v17;
	v25 =	vsub.f32 $1.000000000e+00, v13;
	v13 =	vld.idx.msk [tilespmem:v58+s6+$0x0], $0xffff;
	v23 =	vadd.f32 $-1.666666720e-01, v11  }
0x96: {  	v18 =	vmul.f32 v20, v18;
	v11 =	vld.idx.msk [tilespmem:v55+s6+$0x0], $0xffff;
	v9 =	vadd.f32 $-1.666666720e-01, v10;
	v12 =	vadd.f32 $-1.666666720e-01, v12  }
0x97: {  	v14 =	vmul.f32 v26, v14;
	v10 =	vld.idx.msk [tilespmem:v21+s6+$0x0], $0xffff;
	v21 =	vsub.f32 $1.000000000e+01, v28;
	v23 =	vsub.f32 v23, v7  }
0x98: {  	v17 =	vmul.f32 $6.944444500e-03, v17;
	v63 =	vsub.f32 $1.000000000e+00, v18;
	v62 =	vadd.f32 $-1.666666720e-01, v15;
	v15 =	vld.idx.msk [tilespmem:v59+s6+$0x0], $0xffff  }
0x99: {  	v61 =	vsub.f32 v12, v5;
	v12 =	vld.idx.msk [tilespmem:v56+s6+$0x0], $0xffff;
	v20 =	vadd.f32 v33, v21;
	v21 =	vmul.f32 v23, v25  }
0x9a: {  	vm0 =	vle.f32 v6, $1.200000000e+01;
	v26 =	vsub.f32 v62, v9;
	v23 =	vsub.f32 $1.000000000e+00, v14;
	v16 =	vld.idx.msk [tilespmem:v16+s6+$0x0], $0xffff  }
0x9b: {  	s30 =	simm.s32 $0x1B650;
	s31 =	simm.s32 $0x0;
	s29 =	simm.s32 $0x1B650;
	v18 =	vld.idx.msk [tilespmem:v60+s6+$0x0], $0xffff;
	v19 =	vmul.f32 v20, v19;
	v14 =	vadd.f32 v21, v7;
	v7 =	vadd.f32 v17, v22  }
0x9c: {  	s0 =	simm.s32 $0x19750;
	v4 =	vadd.f32 $-1.666666720e-01, v24;
	s4 =	simm.s32 $0x187B0;
	s1 =	simm.s32 $0x1A6F0;
	v17 =	vmul.f32 v61, v23;
	v20 =	vmul.f32 v26, v63  }
.LBB2_5:
0x9d: {  	s31 =	sadd.s32 $0x4, s31;
	vm2 =	vle.f32 v1, $1.200000000e+01;
	v1 =	vld [tilespmem:s4+$0xFFFFFFF0];
	v6 =	vadd.f32 $-1.666666720e-01, v7;
	vm1 =	vle.f32 v3, $1.200000000e+01;
	s30 =	sadd.s32 $0x40, s30  }
0x9e: {  	v13 =	vmul.f32 v13, v15;
	v11 =	vmul.f32 v11, v12;
	v7 =	vld [tilespmem:s0+$0x10];
	p0 =	slt.u32 s31, $0x78;
	v9 =	vadd.f32 v20, v9  }
0x9f: {  	v12 =	vsub.f32 $1.000000000e+00, v19;
	v10 =	vmul.f32 v10, v16;
	v3 =	vld [tilespmem:s4+$0x10];
	v15 =	vsub.f32 v6, v4  }
0xa0: {  	vm3 =	vle.f32 v2, $1.200000000e+01;
	v8 =	vmul.f32 v18, v8;
	v9 =	vmul.f32 v9, v13;
	v2 =	vld [tilespmem:s4+$0xFFFFFFE0]  }
0xa1: {  	v5 =	vadd.f32 v17, v5;
	v10 =	vmul.f32 v14, v10;
	v6 =	vld [tilespmem:s4+$0x0];
	v12 =	vmul.f32 v15, v12  }
0xa2: {  	v13 =	vmul.f32 v1, v1;
	v14 =	vmul.f32 $5.000000000e-01, v1;
	v9 =	vnsel vm3, $0x0, v9  }
0xa3: {  	v5 =	vmul.f32 v5, v8;
	v15 =	vmul.f32 $6.944444500e-03, v1;
	[tilespmem:s29+$0xFFFFFFE0] =	vst v9;
	v9 =	vnsel vm2, $0x0, v10  }
0xa4: {  	v4 =	vadd.f32 v12, v4;
	v8 =	vadd.f32 $1.000000000e+00, v13;
	v10 =	vmul.f32 v3, v3;
	[tilespmem:s29+$0xFFFFFFF0] =	vst v9  }
0xa5: {  	v5 =	vnsel vm1, $0x0, v5;
	v9 =	vmul.f32 v2, v2;
	(erf) = vrcp.f32 v1  }
0xa6: {  	v12 =	vmul.f32 $6.944444500e-03, v2;
	v13 =	vmul.f32 $5.000000000e-01, v8;
	v10 =	vadd.f32 $1.000000000e+00, v10;
	[tilespmem:s29+$0x10] =	vst v5  }
0xa7: {  	v4 =	vmul.f32 v4, v11;
	v9 =	vadd.f32 $1.000000000e+00, v9;
	(erf) = vrcp.f32 v6  }
0xa8: {  	v16 =	vmul.f32 $5.000000000e-01, v3;
	v11 =	vmul.f32 $6.944444500e-03, v3;
	v5 =	vshrl.u32 v8, $0x1  }
0xa9: {  	v19 =	vmul.f32 v6, v6;
	v17 =	vshrl.u32 v9, $0x1;
	v18 =	vmul.f32 $5.000000000e-01, v9  }
0xaa: {  	v20 =	vmul.f32 $5.000000000e-01, v2;
	v4 =	vnsel vm0, $0x0, v4;
	(erf) = vrcp.f32 v3  }
0xab: {  	v21 =	vmul.f32 $5.000000000e-01, v6;
	v22 =	vmul.f32 $5.000000000e-01, v10;
	v17 =	vsub.s32 $0x5F3759DF, v17;
	[tilespmem:s29+$0x0] =	vst v4;
	s29 =	smov.u32 s30  }
0xac: {  	v19 =	vadd.f32 $1.000000000e+00, v19;
	v4 =	vmin.f32 v20, $1.000000000e+00;
	v20 =	vsub.s32 $0x5F3759DF, v5  }
0xad: {  	v21 =	vmin.f32 v21, $1.000000000e+00;
	v5 =	vmul.f32 v17, v18;
	v18 =	vmul.f32 $1.500000000e+01, v4  }
0xae: {  	v16 =	vmin.f32 v16, $1.000000000e+00;
	v23 =	vmul.f32 $5.000000000e-01, v19;
	v13 =	vmul.f32 v20, v13;
	v24 =	vpop (erf)  }
0xaf: {  	v25 =	vmul.f32 $6.944444500e-03, v6;
	v26 =	vshrl.u32 v10, $0x1  }
0xb0: {  	v27 =	vmul.f32 $1.500000000e+01, v16;
	v15 =	vadd.f32 v15, v24;
	v24 =	vmul.f32 v16, v16;
	v28 =	vpop (erf)  }
0xb1: {  	v29 =	vmul.f32 $1.500000000e+01, v21;
	v25 =	vadd.f32 v25, v28;
	v28 =	vmul.f32 v21, v21  }
0xb2: {  	v26 =	vsub.s32 $0x5F3759DF, v26;
	v18 =	vsub.f32 $1.000000000e+01, v18;
	v30 =	vmul.f32 $6.000000000e+00, v24  }
0xb3: {  	v31 =	vshrl.u32 v19, $0x1;
	v5 =	vmul.f32 v17, v5;
	v13 =	vmul.f32 v20, v13;
	v32 =	vpop (erf)  }
0xb4: {  	v14 =	vmin.f32 v14, $1.000000000e+00;
	v22 =	vmul.f32 v26, v22;
	(erf) = vrcp.f32 v2  }
0xb5: {  	v33 =	vmul.f32 v4, v4;
	v13 =	vsub.f32 $1.500000000e+00, v13;
	v34 =	vmul.f32 $6.000000000e+00, v28  }
0xb6: {  	v35 =	vmul.f32 $1.500000000e+01, v14;
	v22 =	vmul.f32 v26, v22;
	v11 =	vadd.f32 v11, v32  }
0xb7: {  	v31 =	vsub.s32 $0x5F3759DF, v31;
	v36 =	vmul.f32 $6.000000000e+00, v33;
	v32 =	vsub.f32 $1.500000000e+00, v5  }
0xb8: {  	v37 =	vmul.f32 v14, v14;
	v22 =	vsub.f32 $1.500000000e+00, v22;
	v21 =	vmul.f32 v28, v21  }
0xb9: {  	v23 =	vmul.f32 v31, v23;
	v28 =	vmul.f32 v33, v4;
	v5 =	vadd.f32 $-1.666666720e-01, v11  }
0xba: {  	v22 =	vmul.f32 v26, v22;
	v4 =	vadd.f32 $-1.666666720e-01, v25;
	v11 =	vmul.f32 v17, v32;
	v17 =	vld [tilespmem:s1+$0xFFFFFFF0]  }
0xbb: {  	v14 =	vmul.f32 v37, v14;
	v18 =	vadd.f32 v36, v18;
	v13 =	vmul.f32 v20, v13;
	v20 =	vld [tilespmem:s1+$0x0]  }
0xbc: {  	v26 =	vmul.f32 $6.000000000e+00, v37;
	v10 =	vmul.f32 v22, v10;
	v25 =	vsub.f32 $1.000000000e+01, v35;
	v32 =	vld [tilespmem:s0+$0x0]  }
0xbd: {  	v35 =	vadd.f32 $-1.666666720e-01, v15;
	v15 =	vmul.f32 v31, v23;
	v8 =	vmul.f32 v13, v8;
	v33 =	vld [tilespmem:s1+$0xFFFFFFE0];
	v23 =	vpop (erf)  }
0xbe: {  	v27 =	vsub.f32 $1.000000000e+01, v27;
	v10 =	vmul.f32 $6.944444500e-03, v10;
	v9 =	vmul.f32 v11, v9;
	v36 =	vld [tilespmem:s0+$0xFFFFFFE0]  }
0xbf: {  	v25 =	vadd.f32 v26, v25;
	v8 =	vmul.f32 $6.944444500e-03, v8;
	v12 =	vadd.f32 v12, v23;
	v23 =	vld [tilespmem:s0+$0xFFFFFFF0]  }
0xc0: {  	v16 =	vmul.f32 v24, v16;
	v15 =	vsub.f32 $1.500000000e+00, v15;
	v22 =	vadd.f32 v10, v22;
	v26 =	vld [tilespmem:s1+$0x10]  }
0xc1: {  	v13 =	vadd.f32 v8, v13;
	v24 =	vmul.f32 $6.944444500e-03, v9;
	v8 =	vld.idx.msk [tilespmem:v7+s6+$0x0], $0xffff;
	v7 =	vadd.f32 v30, v27  }
0xc2: {  	v14 =	vmul.f32 v25, v14;
	v9 =	vadd.f32 $-1.666666720e-01, v12;
	v10 =	vld.idx.msk [tilespmem:v17+s6+$0x0], $0xffff;
	v17 =	vadd.f32 $-1.666666720e-01, v22  }
0xc3: {  	v22 =	vadd.f32 v24, v11;
	v24 =	vadd.f32 $-1.666666720e-01, v13;
	v11 =	vld.idx.msk [tilespmem:v20+s6+$0x0], $0xffff;
	v20 =	vmul.f32 v31, v15  }
0xc4: {  	v25 =	vsub.f32 $1.000000000e+01, v29;
	v7 =	vmul.f32 v7, v16;
	v12 =	vld.idx.msk [tilespmem:v32+s6+$0x0], $0xffff;
	v17 =	vsub.f32 v17, v5  }
0xc5: {  	v14 =	vsub.f32 $1.000000000e+00, v14;
	v24 =	vsub.f32 v24, v35;
	v13 =	vld.idx.msk [tilespmem:v33+s6+$0x0], $0xffff;
	v19 =	vmul.f32 v20, v19  }
.Ltmp1:
0xc6: {  	v18 =	vmul.f32 v18, v28;
	v25 =	vadd.f32 v34, v25;
	v22 =	vadd.f32 $-1.666666720e-01, v22;
	v15 =	vld.idx.msk [tilespmem:v36+s6+$0x0], $0xffff;
	(pc) =	sbr.rel @p0 .LBB2_5-.Ltmp1, $4  }
0xc7: {  	v14 =	vmul.f32 v24, v14;
	v24 =	vsub.f32 $1.000000000e+00, v7;
	v16 =	vld.idx.msk [tilespmem:v23+s6+$0x0], $0xffff;
	v23 =	vmul.f32 $6.944444500e-03, v19  }
0xc8: {  	v27 =	vsub.f32 $1.000000000e+00, v18;
	v22 =	vsub.f32 v22, v9;
	v19 =	vmul.f32 v25, v21;
	v18 =	vld.idx.msk [tilespmem:v26+s6+$0x0], $0xffff  }
0xc9: {  	v14 =	vadd.f32 v14, v35;
	v17 =	vmul.f32 v17, v24;
	v7 =	vadd.f32 v23, v20  }
0xca: {  	s4 =	sadd.s32 $0x40, s4;
	vm0 =	vle.f32 v6, $1.200000000e+01;
	s0 =	sadd.s32 $0x40, s0;
	s1 =	sadd.s32 $0x40, s1;
	v20 =	vmul.f32 v22, v27  }
0xcb: {  	v6 =	vadd.f32 $-1.666666720e-01, v7;
	_ =	sdelay $0x1  }
0xcc: {  	v49 =	vsub.f32 $1.000000000e+00, v19;
	v6 =	vsub.f32 v6, v4  }
0xcd: {  	v13 =	vmul.f32 v13, v15;
	v11 =	vmul.f32 v11, v12;
	v9 =	vadd.f32 v20, v9  }
0xce: {  	v10 =	vmul.f32 v10, v16;
	v6 =	vmul.f32 v6, v49  }
0xcf: {  	v5 =	vadd.f32 v17, v5;
	v8 =	vmul.f32 v18, v8;
	v50 =	vmul.f32 v9, v13  }
0xd0: {  	vm1 =	vle.f32 v2, $1.200000000e+01;
	v2 =	vmul.f32 v14, v10;
	v51 =	vadd.f32 v6, v4  }
0xd1: {  	vm2 =	vle.f32 v1, $1.200000000e+01;
	v5 =	vmul.f32 v5, v8;
	v1 =	vnsel vm1, $0x0, v50  }
0xd2: {  	vm14 =	vle.f32 v3, $1.200000000e+01;
	[tilespmem:s29+$0xFFFFFFE0] =	vst v1;
	v1 =	vnsel vm2, $0x0, v2;
	v2 =	vmul.f32 v51, v11  }
0xd3: {  	[tilespmem:s29+$0xFFFFFFF0] =	vst v1;
	v1 =	vnsel vm14, $0x0, v5  }
0xd4: {  	[tilespmem:s29+$0x10] =	vst v1;
	v1 =	vnsel vm0, $0x0, v2  }
0xd5: {  	[tilespmem:s29+$0x0] =	vst v1  }
0xd6: {  	v1 =	vld [tilespmem:$0x18F10];
	_ =	sdelay $0x4  }
0xd7: {  	v2 =	vmul.f32 v1, v1;
	_ =	sdelay $0x1  }
0xd8: {  	v2 =	vadd.f32 $1.000000000e+00, v2;
	_ =	sdelay $0x1  }
0xd9: {  	v3 =	vshrl.u32 v2, $0x1;
	v52 =	vmul.f32 $5.000000000e-01, v2  }
0xda: {  	v3 =	vsub.s32 $0x5F3759DF, v3  }
0xdb: {  	v4 =	vmul.f32 v3, v52  }
0xdc: {  	(erf) = vrcp.f32 v1  }
0xdd: {  	v4 =	vmul.f32 v3, v4;
	_ =	sdelay $0x1  }
0xde: {  	v53 =	vmul.f32 $5.000000000e-01, v1;
	v4 =	vsub.f32 $1.500000000e+00, v4;
	_ =	sdelay $0x1  }
0xdf: {  	v54 =	vld [tilespmem:$0x19EB0];
	v3 =	vmul.f32 v3, v4;
	v4 =	vmin.f32 v53, $1.000000000e+00  }
0xe0: {  	v55 =	vld [tilespmem:$0x1AE50];
	v56 =	vmul.f32 v4, v4  }
0xe1: {  	v57 =	vmul.f32 $-1.500000000e+01, v4;
	v2 =	vmul.f32 v3, v2  }
0xe2: {  	v58 =	vmul.f32 $6.944444500e-03, v1  }
0xe3: {  	v59 =	vpop (erf);
	v8 =	vadd.f32 $1.000000000e+01, v57;
	v60 =	vmul.f32 $6.000000000e+00, v56;
	v2 =	vmul.f32 $6.944444500e-03, v2  }
0xe4: {  	v9 =	vadd.f32 v58, v59  }
0xe5: {  	v61 =	vadd.f32 v60, v8;
	v2 =	vadd.f32 v2, v3;
	v3 =	vmul.f32 v56, v4;
	_ =	sdelay $0x1  }
0xe6: {  	v5 =	vld.idx.msk [tilespmem:v54+s6+$0x0], $0xffff;
	v62 =	vadd.f32 $-1.666666720e-01, v9;
	v2 =	vadd.f32 $-1.666666720e-01, v2;
	v3 =	vmul.f32 v61, v3  }
0xe7: {  	v63 =	vld.idx.msk [tilespmem:v55+s6+$0x0], $0xffff  }
0xe8: {  	v3 =	vsub.f32 $1.000000000e+00, v3;
	v2 =	vsub.f32 v2, v62;
	_ =	sdelay $0x1  }
0xe9: {  	v2 =	vmul.f32 v2, v3;
	_ =	sdelay $0x1  }
0xea: {  	v3 =	vmul.f32 v63, v5;
	v2 =	vadd.f32 v2, v62;
	_ =	sdelay $0x1  }
0xeb: {  	v2 =	vmul.f32 v2, v3  }
0xec: {  	vm15 =	vle.f32 v1, $1.200000000e+01  }
0xed: {  	v1 =	vnsel vm15, $0x0, v2  }
0xee: {  	s0 =	simm.s32 $0xFFFFFFF8;
	s1 =	simm.s32 $0x19730;
	s4 =	simm.s32 $0x1B670;
	[tilespmem:$0x1BDF0] =	vst v1  }
.LBB2_7:
0xef: {  	v1 =	vld [tilespmem:s1+$0xFFFFFFC0];
	_ =	sdelay $0x2  }
0xf0: {  	v2 =	vld [tilespmem:s4+$0xFFFFFFC0];
	_ =	sdelay $0x4  }
0xf1: {  	[tilespmem:v1+s22+$0x0] =	vst.idx.add.f32.msk $0xffff, v2  }
0xf2: {  	v1 =	vld [tilespmem:s1+$0xFFFFFFD0];
	_ =	sdelay $0x2  }
0xf3: {  	v2 =	vld [tilespmem:s4+$0xFFFFFFD0];
	_ =	sdelay $0x4  }
0xf4: {  	[tilespmem:v1+s22+$0x0] =	vst.idx.add.f32.msk $0xffff, v2  }
0xf5: {  	v1 =	vld [tilespmem:s1+$0xFFFFFFE0];
	_ =	sdelay $0x2  }
0xf6: {  	v2 =	vld [tilespmem:s4+$0xFFFFFFE0];
	_ =	sdelay $0x4  }
0xf7: {  	[tilespmem:v1+s22+$0x0] =	vst.idx.add.f32.msk $0xffff, v2  }
0xf8: {  	v1 =	vld [tilespmem:s1+$0xFFFFFFF0];
	_ =	sdelay $0x2  }
0xf9: {  	v2 =	vld [tilespmem:s4+$0xFFFFFFF0];
	_ =	sdelay $0x4  }
0xfa: {  	[tilespmem:v1+s22+$0x0] =	vst.idx.add.f32.msk $0xffff, v2  }
0xfb: {  	v1 =	vld [tilespmem:s1+$0x0];
	_ =	sdelay $0x2  }
0xfc: {  	v2 =	vld [tilespmem:s4+$0x0];
	_ =	sdelay $0x4  }
0xfd: {  	[tilespmem:v1+s22+$0x0] =	vst.idx.add.f32.msk $0xffff, v2  }
0xfe: {  	v1 =	vld [tilespmem:s1+$0x10];
	_ =	sdelay $0x2  }
0xff: {  	v2 =	vld [tilespmem:s4+$0x10];
	_ =	sdelay $0x4  }
0x100: {  	[tilespmem:v1+s22+$0x0] =	vst.idx.add.f32.msk $0xffff, v2  }
0x101: {  	v1 =	vld [tilespmem:s1+$0x20];
	_ =	sdelay $0x2  }
0x102: {  	v2 =	vld [tilespmem:s4+$0x20];
	_ =	sdelay $0x4  }
0x103: {  	[tilespmem:v1+s22+$0x0] =	vst.idx.add.f32.msk $0xffff, v2  }
0x104: {  	v1 =	vld [tilespmem:s1+$0x30];
	_ =	sdelay $0x1  }
0x105: {  	s0 =	sadd.s32 $0x8, s0  }
0x106: {  	p0 =	slt.u32 s0, $0x70;
	v2 =	vld [tilespmem:s4+$0x30]  }
.Ltmp2:
0x107: {  	_ = 	snop;
	(pc) =	sbr.rel @p0 .LBB2_7-.Ltmp2, $2  }
0x108: {  	_ =	sdelay $0x2  }
0x109: {  	s1 =	sadd.s32 $0x80, s1;
	s4 =	sadd.s32 $0x80, s4;
	[tilespmem:v1+s22+$0x0] =	vst.idx.add.f32.msk $0xffff, v2  }
0x10a: {  	v1 =	vld [tilespmem:$0x19E70];
	_ =	sdelay $0x2  }
0x10b: {  	v2 =	vld [tilespmem:$0x1BDB0];
	_ =	sdelay $0x4  }
0x10c: {  	[tilespmem:v1+s22+$0x0] =	vst.idx.add.f32.msk $0xffff, v2  }
0x10d: {  	v1 =	vld [tilespmem:$0x19E80];
	_ =	sdelay $0x2  }
0x10e: {  	v2 =	vld [tilespmem:$0x1BDC0];
	_ =	sdelay $0x4  }
0x10f: {  	[tilespmem:v1+s22+$0x0] =	vst.idx.add.f32.msk $0xffff, v2  }
0x110: {  	v1 =	vld [tilespmem:$0x19E90];
	_ =	sdelay $0x2  }
0x111: {  	v2 =	vld [tilespmem:$0x1BDD0];
	_ =	sdelay $0x4  }
0x112: {  	[tilespmem:v1+s22+$0x0] =	vst.idx.add.f32.msk $0xffff, v2  }
0x113: {  	v1 =	vld [tilespmem:$0x19EA0];
	_ =	sdelay $0x2  }
0x114: {  	v2 =	vld [tilespmem:$0x1BDE0];
	_ =	sdelay $0x4  }
0x115: {  	[tilespmem:v1+s22+$0x0] =	vst.idx.add.f32.msk $0xffff, v2  }
0x116: {  	v1 =	vld [tilespmem:$0x19EB0];
	_ =	sdelay $0x2  }
0x117: {  	v2 =	vld [tilespmem:$0x1BDF0];
	_ =	sdelay $0x2  }
0x118: {  	s0 =	sadd.s32 s28, s11  }
0x119: {  	s0 =	sshrl.u32 s0, $0x3  }
0x11a: {  	s1 =	sadd.s32 s2, s0;
	[tilespmem:v1+s22+$0x0] =	vst.idx.add.f32.msk $0xffff, v2  }
0x11b: {  	[tilespmem:s14], [sflag:$0x2] =	stream.linear.gather [hbm4b:s1+s6], $0x7D0, $0x38;
	[tilespmem:$0x1BE00] =	vst v63  }
0x11c: {  	s31 =	sadd.s32 s3, s0  }
0x11d: {  	[tilespmem:s15], [sflag:$0x2] =	stream.linear.gather [hbm4b:s31+s6], $0x7D0, $0x38;
	[tilespmem:$0x1BE00] =	vst v63  }
0x11e: {  	s0 =	sadd.s32 s5, s0  }
0x11f: {  	[tilespmem:s16], [sflag:$0x2] =	stream.linear.gather [hbm4b:s0+s6], $0x7D0, $0x38;
	[tilespmem:$0x1BE00] =	vst v63  }
0x120: {  	_ =	swait.ge [sflag:s23], $0x7D0  }
0x121: {  	[sflag:s23] =	ssyncset.done $0x0  }
0x122: {  	[sflag:s23] =	ssyncadd.s32 $0xFFFFF830  }
0x123: {  	_ =	swait.ge [sflag:s23], $0x7D0  }
0x124: {  	[sflag:s23] =	ssyncset.done $0x0  }
0x125: {  	[sflag:s23] =	ssyncadd.s32 $0xFFFFF830  }
0x126: {  	_ =	swait.ge [sflag:s23], $0x7D0  }
0x127: {  	[sflag:s23] =	ssyncset.done $0x0  }
0x128: {  	s1 =	simm.s32 $0x18F40;
	[sflag:s23] =	ssyncadd.s32 $0xFFFFF830  }
0x129: {  	v1 =	vld [tilespmem:s1+$0xFFFFFFF0]  }
0x12a: {  	v2 =	vld [tilespmem:s1+$0xFFFFFFE0]  }
0x12b: {  	v3 =	vld [tilespmem:s1+$0x10]  }
0x12c: {  	v6 =	vld [tilespmem:s1+$0x0];
	_ =	sdelay $0x1  }
0x12d: {  	v4 =	vmul.f32 v1, v1;
	v5 =	vmul.f32 $5.000000000e-01, v1  }
0x12e: {  	v7 =	vmul.f32 $6.944444500e-03, v1;
	v8 =	vmul.f32 v2, v2  }
0x12f: {  	(erf) = vrcp.f32 v1;
	v10 =	vmul.f32 $6.944444500e-03, v2  }
0x130: {  	v14 =	vmul.f32 $5.000000000e-01, v3;
	v17 =	vmul.f32 v6, v6  }
0x131: {  	v18 =	vmul.f32 $5.000000000e-01, v2;
	v19 =	vmul.f32 $5.000000000e-01, v6  }
0x132: {  	v24 =	vmul.f32 $6.944444500e-03, v6;
	(erf) = vrcp.f32 v6  }
0x133: {  	v9 =	vadd.f32 $1.000000000e+00, v4;
	v4 =	vmul.f32 v3, v3;
	v8 =	vadd.f32 $1.000000000e+00, v8  }
0x134: {  	(erf) = vrcp.f32 v3;
	v18 =	vmin.f32 v18, $1.000000000e+00;
	v14 =	vmin.f32 v14, $1.000000000e+00  }
0x135: {  	v19 =	vmin.f32 v19, $1.000000000e+00;
	v21 =	vmul.f32 $1.500000000e+01, v18;
	v26 =	vmul.f32 $1.500000000e+01, v14  }
0x136: {  	v31 =	vmin.f32 v5, $1.000000000e+00;
	v50 =	vmul.f32 v19, v19;
	v28 =	vmul.f32 $1.500000000e+01, v19  }
0x137: {  	v17 =	vadd.f32 $1.000000000e+00, v17;
	v32 =	vmul.f32 v18, v18;
	v34 =	vmul.f32 $1.500000000e+01, v31  }
0x138: {  	v35 =	vmul.f32 v31, v31;
	v11 =	vmul.f32 $5.000000000e-01, v9;
	v12 =	vadd.f32 $1.000000000e+00, v4  }
0x139: {  	v4 =	vmul.f32 $6.944444500e-03, v3;
	v13 =	vshrl.u32 v9, $0x1;
	v15 =	vmul.f32 $5.000000000e-01, v8  }
0x13a: {  	v16 =	vshrl.u32 v8, $0x1;
	v22 =	vmul.f32 $5.000000000e-01, v17;
	v30 =	vshrl.u32 v17, $0x1  }
0x13b: {  	v16 =	vsub.s32 $0x5F3759DF, v16;
	v13 =	vsub.s32 $0x5F3759DF, v13;
	v33 =	vmul.f32 $6.000000000e+00, v50  }
0x13c: {  	v19 =	vmul.f32 v50, v19;
	v20 =	vmul.f32 $5.000000000e-01, v12;
	v25 =	vshrl.u32 v12, $0x1  }
0x13d: {  	v54 =	vmul.f32 $6.000000000e+00, v35;
	v15 =	vmul.f32 v16, v15;
	v25 =	vsub.s32 $0x5F3759DF, v25  }
0x13e: {  	v30 =	vsub.s32 $0x5F3759DF, v30;
	v11 =	vmul.f32 v13, v11;
	v5 =	vmul.f32 v25, v20  }
0x13f: {  	v21 =	vsub.f32 $1.000000000e+01, v21;
	v22 =	vmul.f32 v30, v22;
	v15 =	vmul.f32 v16, v15  }
0x140: {  	v53 =	vsub.f32 $1.000000000e+01, v34;
	v11 =	vmul.f32 v13, v11;
	v23 =	vpop (erf);
	v5 =	vmul.f32 v25, v5  }
0x141: {  	v22 =	vmul.f32 v30, v22;
	v7 =	vadd.f32 v7, v23;
	v23 =	vmul.f32 v14, v14  }
0x142: {  	(erf) = vrcp.f32 v2;
	v15 =	vsub.f32 $1.500000000e+00, v15;
	v51 =	vsub.f32 $1.500000000e+00, v5  }
0x143: {  	s4 =	simm.s32 $0x19EE0;
	v26 =	vsub.f32 $1.000000000e+01, v26;
	v27 =	vpop (erf);
	v11 =	vsub.f32 $1.500000000e+00, v11;
	v29 =	vmul.f32 $6.000000000e+00, v23  }
0x144: {  	s31 =	simm.s32 $0x1AE80;
	v52 =	vld [tilespmem:s4+$0x10];
	v22 =	vsub.f32 $1.500000000e+00, v22;
	v20 =	vpop (erf);
	v15 =	vmul.f32 v16, v15;
	v16 =	vmul.f32 v25, v51  }
0x145: {  	v58 =	vld [tilespmem:s31+$0xFFFFFFE0];
	v4 =	vadd.f32 v4, v20;
	v20 =	vmul.f32 $6.000000000e+00, v32;
	v11 =	vmul.f32 v13, v11  }
0x146: {  	v55 =	vld [tilespmem:s31+$0x0];
	v24 =	vadd.f32 v24, v27;
	v13 =	vmul.f32 v35, v31;
	v12 =	vmul.f32 v16, v12  }
0x147: {  	v14 =	vmul.f32 v23, v14;
	v20 =	vadd.f32 v20, v21;
	v21 =	vld [tilespmem:s31+$0xFFFFFFF0];
	v9 =	vmul.f32 v11, v9  }
0x148: {  	v59 =	vld [tilespmem:s4+$0xFFFFFFE0];
	v7 =	vadd.f32 $-1.666666720e-01, v7;
	v8 =	vmul.f32 v15, v8;
	v12 =	vmul.f32 $6.944444500e-03, v12  }
0x149: {  	v56 =	vld [tilespmem:s4+$0x0];
	v22 =	vmul.f32 v30, v22;
	v25 =	vadd.f32 v54, v53;
	v9 =	vmul.f32 $6.944444500e-03, v9  }
0x14a: {  	v5 =	vadd.f32 $-1.666666720e-01, v4;
	v23 =	vmul.f32 $6.944444500e-03, v8;
	v12 =	vadd.f32 v12, v16;
	v16 =	vld [tilespmem:s4+$0xFFFFFFF0]  }
0x14b: {  	v60 =	vld [tilespmem:s31+$0x10];
	v26 =	vadd.f32 v29, v26;
	v13 =	vmul.f32 v25, v13;
	v57 =	vpop (erf);
	v11 =	vadd.f32 v9, v11  }
0x14c: {  	v18 =	vmul.f32 v32, v18;
	v8 =	vld.idx.msk [tilespmem:v52+s6+$0x0], $0xffff;
	v15 =	vadd.f32 v23, v15;
	v10 =	vadd.f32 v10, v57  }
0x14d: {  	v17 =	vmul.f32 v22, v17;
	v25 =	vsub.f32 $1.000000000e+00, v13;
	v13 =	vld.idx.msk [tilespmem:v58+s6+$0x0], $0xffff;
	v23 =	vadd.f32 $-1.666666720e-01, v11  }
0x14e: {  	v18 =	vmul.f32 v20, v18;
	v11 =	vld.idx.msk [tilespmem:v55+s6+$0x0], $0xffff;
	v9 =	vadd.f32 $-1.666666720e-01, v10;
	v12 =	vadd.f32 $-1.666666720e-01, v12  }
0x14f: {  	v14 =	vmul.f32 v26, v14;
	v10 =	vld.idx.msk [tilespmem:v21+s6+$0x0], $0xffff;
	v21 =	vsub.f32 $1.000000000e+01, v28;
	v23 =	vsub.f32 v23, v7  }
0x150: {  	v17 =	vmul.f32 $6.944444500e-03, v17;
	v63 =	vsub.f32 $1.000000000e+00, v18;
	v62 =	vadd.f32 $-1.666666720e-01, v15;
	v15 =	vld.idx.msk [tilespmem:v59+s6+$0x0], $0xffff  }
0x151: {  	v61 =	vsub.f32 v12, v5;
	v12 =	vld.idx.msk [tilespmem:v56+s6+$0x0], $0xffff;
	v20 =	vadd.f32 v33, v21;
	v21 =	vmul.f32 v23, v25  }
0x152: {  	vm0 =	vle.f32 v6, $1.200000000e+01;
	v26 =	vsub.f32 v62, v9;
	v23 =	vsub.f32 $1.000000000e+00, v14;
	v16 =	vld.idx.msk [tilespmem:v16+s6+$0x0], $0xffff  }
0x153: {  	s29 =	simm.s32 $0x1B650;
	s30 =	simm.s32 $0x0;
	s28 =	simm.s32 $0x1B650;
	v18 =	vld.idx.msk [tilespmem:v60+s6+$0x0], $0xffff;
	v19 =	vmul.f32 v20, v19;
	v14 =	vadd.f32 v21, v7;
	v7 =	vadd.f32 v17, v22  }
0x154: {  	s0 =	simm.s32 $0x19F20;
	s1 =	simm.s32 $0x1AEC0;
	v4 =	vadd.f32 $-1.666666720e-01, v24;
	s4 =	simm.s32 $0x18F80;
	v17 =	vmul.f32 v61, v23;
	v20 =	vmul.f32 v26, v63  }
.LBB2_9:
0x155: {  	s30 =	sadd.s32 $0x4, s30;
	vm2 =	vle.f32 v1, $1.200000000e+01;
	v1 =	vld [tilespmem:s4+$0xFFFFFFF0];
	v6 =	vadd.f32 $-1.666666720e-01, v7;
	vm1 =	vle.f32 v3, $1.200000000e+01;
	s29 =	sadd.s32 $0x40, s29  }
0x156: {  	v13 =	vmul.f32 v13, v15;
	v11 =	vmul.f32 v11, v12;
	v7 =	vld [tilespmem:s0+$0x10];
	p0 =	slt.u32 s30, $0x78;
	v9 =	vadd.f32 v20, v9  }
0x157: {  	v12 =	vsub.f32 $1.000000000e+00, v19;
	v10 =	vmul.f32 v10, v16;
	v3 =	vld [tilespmem:s4+$0x10];
	v15 =	vsub.f32 v6, v4  }
0x158: {  	vm3 =	vle.f32 v2, $1.200000000e+01;
	v8 =	vmul.f32 v18, v8;
	v9 =	vmul.f32 v9, v13;
	v2 =	vld [tilespmem:s4+$0xFFFFFFE0]  }
0x159: {  	v5 =	vadd.f32 v17, v5;
	v10 =	vmul.f32 v14, v10;
	v6 =	vld [tilespmem:s4+$0x0];
	v12 =	vmul.f32 v15, v12  }
0x15a: {  	v13 =	vmul.f32 v1, v1;
	v14 =	vmul.f32 $5.000000000e-01, v1;
	v9 =	vnsel vm3, $0x0, v9  }
0x15b: {  	v5 =	vmul.f32 v5, v8;
	v15 =	vmul.f32 $6.944444500e-03, v1;
	[tilespmem:s28+$0xFFFFFFE0] =	vst v9;
	v9 =	vnsel vm2, $0x0, v10  }
0x15c: {  	v4 =	vadd.f32 v12, v4;
	v8 =	vadd.f32 $1.000000000e+00, v13;
	v10 =	vmul.f32 v3, v3;
	[tilespmem:s28+$0xFFFFFFF0] =	vst v9  }
0x15d: {  	v5 =	vnsel vm1, $0x0, v5;
	v9 =	vmul.f32 v2, v2;
	(erf) = vrcp.f32 v1  }
0x15e: {  	v12 =	vmul.f32 $6.944444500e-03, v2;
	v13 =	vmul.f32 $5.000000000e-01, v8;
	v10 =	vadd.f32 $1.000000000e+00, v10;
	[tilespmem:s28+$0x10] =	vst v5  }
0x15f: {  	v4 =	vmul.f32 v4, v11;
	v9 =	vadd.f32 $1.000000000e+00, v9;
	(erf) = vrcp.f32 v6  }
0x160: {  	v16 =	vmul.f32 $5.000000000e-01, v3;
	v11 =	vmul.f32 $6.944444500e-03, v3;
	v5 =	vshrl.u32 v8, $0x1  }
0x161: {  	v19 =	vmul.f32 v6, v6;
	v17 =	vshrl.u32 v9, $0x1;
	v18 =	vmul.f32 $5.000000000e-01, v9  }
0x162: {  	v20 =	vmul.f32 $5.000000000e-01, v2;
	v4 =	vnsel vm0, $0x0, v4;
	(erf) = vrcp.f32 v3  }
0x163: {  	v21 =	vmul.f32 $5.000000000e-01, v6;
	v22 =	vmul.f32 $5.000000000e-01, v10;
	v17 =	vsub.s32 $0x5F3759DF, v17;
	[tilespmem:s28+$0x0] =	vst v4;
	s28 =	smov.u32 s29  }
0x164: {  	v19 =	vadd.f32 $1.000000000e+00, v19;
	v4 =	vmin.f32 v20, $1.000000000e+00;
	v20 =	vsub.s32 $0x5F3759DF, v5  }
0x165: {  	v21 =	vmin.f32 v21, $1.000000000e+00;
	v5 =	vmul.f32 v17, v18;
	v18 =	vmul.f32 $1.500000000e+01, v4  }
0x166: {  	v16 =	vmin.f32 v16, $1.000000000e+00;
	v23 =	vmul.f32 $5.000000000e-01, v19;
	v13 =	vmul.f32 v20, v13;
	v24 =	vpop (erf)  }
0x167: {  	v25 =	vmul.f32 $6.944444500e-03, v6;
	v26 =	vshrl.u32 v10, $0x1  }
0x168: {  	v27 =	vmul.f32 $1.500000000e+01, v16;
	v15 =	vadd.f32 v15, v24;
	v24 =	vmul.f32 v16, v16;
	v28 =	vpop (erf)  }
0x169: {  	v29 =	vmul.f32 $1.500000000e+01, v21;
	v25 =	vadd.f32 v25, v28;
	v28 =	vmul.f32 v21, v21  }
0x16a: {  	v26 =	vsub.s32 $0x5F3759DF, v26;
	v18 =	vsub.f32 $1.000000000e+01, v18;
	v30 =	vmul.f32 $6.000000000e+00, v24  }
0x16b: {  	v31 =	vshrl.u32 v19, $0x1;
	v5 =	vmul.f32 v17, v5;
	v13 =	vmul.f32 v20, v13;
	v32 =	vpop (erf)  }
0x16c: {  	v14 =	vmin.f32 v14, $1.000000000e+00;
	v22 =	vmul.f32 v26, v22;
	(erf) = vrcp.f32 v2  }
0x16d: {  	v33 =	vmul.f32 v4, v4;
	v13 =	vsub.f32 $1.500000000e+00, v13;
	v34 =	vmul.f32 $6.000000000e+00, v28  }
0x16e: {  	v35 =	vmul.f32 $1.500000000e+01, v14;
	v22 =	vmul.f32 v26, v22;
	v11 =	vadd.f32 v11, v32  }
0x16f: {  	v31 =	vsub.s32 $0x5F3759DF, v31;
	v36 =	vmul.f32 $6.000000000e+00, v33;
	v32 =	vsub.f32 $1.500000000e+00, v5  }
0x170: {  	v37 =	vmul.f32 v14, v14;
	v22 =	vsub.f32 $1.500000000e+00, v22;
	v21 =	vmul.f32 v28, v21  }
0x171: {  	v23 =	vmul.f32 v31, v23;
	v28 =	vmul.f32 v33, v4;
	v5 =	vadd.f32 $-1.666666720e-01, v11  }
0x172: {  	v22 =	vmul.f32 v26, v22;
	v4 =	vadd.f32 $-1.666666720e-01, v25;
	v11 =	vmul.f32 v17, v32;
	v17 =	vld [tilespmem:s1+$0xFFFFFFF0]  }
0x173: {  	v14 =	vmul.f32 v37, v14;
	v18 =	vadd.f32 v36, v18;
	v13 =	vmul.f32 v20, v13;
	v20 =	vld [tilespmem:s1+$0x0]  }
0x174: {  	v26 =	vmul.f32 $6.000000000e+00, v37;
	v10 =	vmul.f32 v22, v10;
	v25 =	vsub.f32 $1.000000000e+01, v35;
	v32 =	vld [tilespmem:s0+$0x0]  }
0x175: {  	v35 =	vadd.f32 $-1.666666720e-01, v15;
	v15 =	vmul.f32 v31, v23;
	v8 =	vmul.f32 v13, v8;
	v33 =	vld [tilespmem:s1+$0xFFFFFFE0];
	v23 =	vpop (erf)  }
0x176: {  	v27 =	vsub.f32 $1.000000000e+01, v27;
	v10 =	vmul.f32 $6.944444500e-03, v10;
	v9 =	vmul.f32 v11, v9;
	v36 =	vld [tilespmem:s0+$0xFFFFFFE0]  }
0x177: {  	v25 =	vadd.f32 v26, v25;
	v8 =	vmul.f32 $6.944444500e-03, v8;
	v12 =	vadd.f32 v12, v23;
	v23 =	vld [tilespmem:s0+$0xFFFFFFF0]  }
0x178: {  	v16 =	vmul.f32 v24, v16;
	v15 =	vsub.f32 $1.500000000e+00, v15;
	v22 =	vadd.f32 v10, v22;
	v26 =	vld [tilespmem:s1+$0x10]  }
0x179: {  	v13 =	vadd.f32 v8, v13;
	v24 =	vmul.f32 $6.944444500e-03, v9;
	v8 =	vld.idx.msk [tilespmem:v7+s6+$0x0], $0xffff;
	v7 =	vadd.f32 v30, v27  }
0x17a: {  	v14 =	vmul.f32 v25, v14;
	v9 =	vadd.f32 $-1.666666720e-01, v12;
	v10 =	vld.idx.msk [tilespmem:v17+s6+$0x0], $0xffff;
	v17 =	vadd.f32 $-1.666666720e-01, v22  }
0x17b: {  	v22 =	vadd.f32 v24, v11;
	v24 =	vadd.f32 $-1.666666720e-01, v13;
	v11 =	vld.idx.msk [tilespmem:v20+s6+$0x0], $0xffff;
	v20 =	vmul.f32 v31, v15  }
0x17c: {  	v25 =	vsub.f32 $1.000000000e+01, v29;
	v7 =	vmul.f32 v7, v16;
	v12 =	vld.idx.msk [tilespmem:v32+s6+$0x0], $0xffff;
	v17 =	vsub.f32 v17, v5  }
0x17d: {  	v14 =	vsub.f32 $1.000000000e+00, v14;
	v24 =	vsub.f32 v24, v35;
	v13 =	vld.idx.msk [tilespmem:v33+s6+$0x0], $0xffff;
	v19 =	vmul.f32 v20, v19  }
.Ltmp3:
0x17e: {  	v18 =	vmul.f32 v18, v28;
	v25 =	vadd.f32 v34, v25;
	v22 =	vadd.f32 $-1.666666720e-01, v22;
	v15 =	vld.idx.msk [tilespmem:v36+s6+$0x0], $0xffff;
	(pc) =	sbr.rel @p0 .LBB2_9-.Ltmp3, $4  }
0x17f: {  	v14 =	vmul.f32 v24, v14;
	v24 =	vsub.f32 $1.000000000e+00, v7;
	v16 =	vld.idx.msk [tilespmem:v23+s6+$0x0], $0xffff;
	v23 =	vmul.f32 $6.944444500e-03, v19  }
0x180: {  	v27 =	vsub.f32 $1.000000000e+00, v18;
	v22 =	vsub.f32 v22, v9;
	v19 =	vmul.f32 v25, v21;
	v18 =	vld.idx.msk [tilespmem:v26+s6+$0x0], $0xffff  }
0x181: {  	v14 =	vadd.f32 v14, v35;
	v17 =	vmul.f32 v17, v24;
	v7 =	vadd.f32 v23, v20  }
0x182: {  	s4 =	sadd.s32 $0x40, s4;
	vm0 =	vle.f32 v6, $1.200000000e+01;
	s0 =	sadd.s32 $0x40, s0;
	s1 =	sadd.s32 $0x40, s1;
	v20 =	vmul.f32 v22, v27  }
0x183: {  	v6 =	vadd.f32 $-1.666666720e-01, v7;
	_ =	sdelay $0x1  }
0x184: {  	v49 =	vsub.f32 $1.000000000e+00, v19;
	v6 =	vsub.f32 v6, v4  }
0x185: {  	v13 =	vmul.f32 v13, v15;
	v11 =	vmul.f32 v11, v12;
	v9 =	vadd.f32 v20, v9  }
0x186: {  	v10 =	vmul.f32 v10, v16;
	v6 =	vmul.f32 v6, v49  }
0x187: {  	v5 =	vadd.f32 v17, v5;
	v8 =	vmul.f32 v18, v8;
	v50 =	vmul.f32 v9, v13  }
0x188: {  	vm1 =	vle.f32 v2, $1.200000000e+01;
	v2 =	vmul.f32 v14, v10;
	v51 =	vadd.f32 v6, v4  }
0x189: {  	vm2 =	vle.f32 v1, $1.200000000e+01;
	v5 =	vmul.f32 v5, v8;
	v1 =	vnsel vm1, $0x0, v50  }
0x18a: {  	vm14 =	vle.f32 v3, $1.200000000e+01;
	[tilespmem:s28+$0xFFFFFFE0] =	vst v1;
	v1 =	vnsel vm2, $0x0, v2;
	v2 =	vmul.f32 v51, v11  }
0x18b: {  	[tilespmem:s28+$0xFFFFFFF0] =	vst v1;
	v1 =	vnsel vm14, $0x0, v5  }
0x18c: {  	[tilespmem:s28+$0x10] =	vst v1;
	v1 =	vnsel vm0, $0x0, v2  }
0x18d: {  	[tilespmem:s28+$0x0] =	vst v1  }
0x18e: {  	v1 =	vld [tilespmem:$0x196E0];
	_ =	sdelay $0x4  }
0x18f: {  	v2 =	vmul.f32 v1, v1;
	_ =	sdelay $0x1  }
0x190: {  	v2 =	vadd.f32 $1.000000000e+00, v2;
	_ =	sdelay $0x1  }
0x191: {  	v3 =	vshrl.u32 v2, $0x1;
	v52 =	vmul.f32 $5.000000000e-01, v2  }
0x192: {  	v3 =	vsub.s32 $0x5F3759DF, v3  }
0x193: {  	v4 =	vmul.f32 v3, v52  }
0x194: {  	(erf) = vrcp.f32 v1  }
0x195: {  	v4 =	vmul.f32 v3, v4;
	_ =	sdelay $0x1  }
0x196: {  	v53 =	vmul.f32 $5.000000000e-01, v1;
	v4 =	vsub.f32 $1.500000000e+00, v4;
	_ =	sdelay $0x1  }
0x197: {  	v54 =	vld [tilespmem:$0x1A680];
	v3 =	vmul.f32 v3, v4;
	v4 =	vmin.f32 v53, $1.000000000e+00  }
0x198: {  	v55 =	vld [tilespmem:$0x1B620];
	v56 =	vmul.f32 v4, v4  }
0x199: {  	v57 =	vmul.f32 $-1.500000000e+01, v4;
	v2 =	vmul.f32 v3, v2  }
0x19a: {  	v58 =	vmul.f32 $6.944444500e-03, v1  }
0x19b: {  	v59 =	vpop (erf);
	v8 =	vadd.f32 $1.000000000e+01, v57;
	v60 =	vmul.f32 $6.000000000e+00, v56;
	v2 =	vmul.f32 $6.944444500e-03, v2  }
0x19c: {  	v9 =	vadd.f32 v58, v59  }
0x19d: {  	v61 =	vadd.f32 v60, v8;
	v2 =	vadd.f32 v2, v3;
	v3 =	vmul.f32 v56, v4;
	_ =	sdelay $0x1  }
0x19e: {  	v5 =	vld.idx.msk [tilespmem:v54+s6+$0x0], $0xffff;
	v62 =	vadd.f32 $-1.666666720e-01, v9;
	v2 =	vadd.f32 $-1.666666720e-01, v2;
	v3 =	vmul.f32 v61, v3  }
0x19f: {  	v63 =	vld.idx.msk [tilespmem:v55+s6+$0x0], $0xffff  }
0x1a0: {  	v3 =	vsub.f32 $1.000000000e+00, v3;
	v2 =	vsub.f32 v2, v62;
	_ =	sdelay $0x1  }
0x1a1: {  	v2 =	vmul.f32 v2, v3;
	_ =	sdelay $0x1  }
0x1a2: {  	v3 =	vmul.f32 v63, v5;
	v2 =	vadd.f32 v2, v62;
	_ =	sdelay $0x1  }
0x1a3: {  	v2 =	vmul.f32 v2, v3  }
0x1a4: {  	vm15 =	vle.f32 v1, $1.200000000e+01  }
0x1a5: {  	v1 =	vnsel vm15, $0x0, v2  }
0x1a6: {  	s0 =	simm.s32 $0xFFFFFFF8;
	s1 =	simm.s32 $0x19F00;
	s4 =	simm.s32 $0x1B670;
	[tilespmem:$0x1BDF0] =	vst v1  }
.LBB2_11:
0x1a7: {  	v1 =	vld [tilespmem:s1+$0xFFFFFFC0];
	_ =	sdelay $0x2  }
0x1a8: {  	v2 =	vld [tilespmem:s4+$0xFFFFFFC0];
	_ =	sdelay $0x4  }
0x1a9: {  	[tilespmem:v1+s22+$0x0] =	vst.idx.add.f32.msk $0xffff, v2  }
0x1aa: {  	v1 =	vld [tilespmem:s1+$0xFFFFFFD0];
	_ =	sdelay $0x2  }
0x1ab: {  	v2 =	vld [tilespmem:s4+$0xFFFFFFD0];
	_ =	sdelay $0x4  }
0x1ac: {  	[tilespmem:v1+s22+$0x0] =	vst.idx.add.f32.msk $0xffff, v2  }
0x1ad: {  	v1 =	vld [tilespmem:s1+$0xFFFFFFE0];
	_ =	sdelay $0x2  }
0x1ae: {  	v2 =	vld [tilespmem:s4+$0xFFFFFFE0];
	_ =	sdelay $0x4  }
0x1af: {  	[tilespmem:v1+s22+$0x0] =	vst.idx.add.f32.msk $0xffff, v2  }
0x1b0: {  	v1 =	vld [tilespmem:s1+$0xFFFFFFF0];
	_ =	sdelay $0x2  }
0x1b1: {  	v2 =	vld [tilespmem:s4+$0xFFFFFFF0];
	_ =	sdelay $0x4  }
0x1b2: {  	[tilespmem:v1+s22+$0x0] =	vst.idx.add.f32.msk $0xffff, v2  }
0x1b3: {  	v1 =	vld [tilespmem:s1+$0x0];
	_ =	sdelay $0x2  }
0x1b4: {  	v2 =	vld [tilespmem:s4+$0x0];
	_ =	sdelay $0x4  }
0x1b5: {  	[tilespmem:v1+s22+$0x0] =	vst.idx.add.f32.msk $0xffff, v2  }
0x1b6: {  	v1 =	vld [tilespmem:s1+$0x10];
	_ =	sdelay $0x2  }
0x1b7: {  	v2 =	vld [tilespmem:s4+$0x10];
	_ =	sdelay $0x4  }
0x1b8: {  	[tilespmem:v1+s22+$0x0] =	vst.idx.add.f32.msk $0xffff, v2  }
0x1b9: {  	v1 =	vld [tilespmem:s1+$0x20];
	_ =	sdelay $0x2  }
0x1ba: {  	v2 =	vld [tilespmem:s4+$0x20];
	_ =	sdelay $0x4  }
0x1bb: {  	[tilespmem:v1+s22+$0x0] =	vst.idx.add.f32.msk $0xffff, v2  }
0x1bc: {  	v1 =	vld [tilespmem:s1+$0x30];
	_ =	sdelay $0x1  }
0x1bd: {  	s0 =	sadd.s32 $0x8, s0  }
0x1be: {  	p0 =	slt.u32 s0, $0x70;
	v2 =	vld [tilespmem:s4+$0x30]  }
.Ltmp4:
0x1bf: {  	_ = 	snop;
	(pc) =	sbr.rel @p0 .LBB2_11-.Ltmp4, $2  }
0x1c0: {  	_ =	sdelay $0x2  }
0x1c1: {  	s1 =	sadd.s32 $0x80, s1;
	s4 =	sadd.s32 $0x80, s4;
	[tilespmem:v1+s22+$0x0] =	vst.idx.add.f32.msk $0xffff, v2  }
0x1c2: {  	v1 =	vld [tilespmem:$0x1A640];
	_ =	sdelay $0x2  }
0x1c3: {  	v2 =	vld [tilespmem:$0x1BDB0];
	_ =	sdelay $0x4  }
0x1c4: {  	[tilespmem:v1+s22+$0x0] =	vst.idx.add.f32.msk $0xffff, v2  }
0x1c5: {  	v1 =	vld [tilespmem:$0x1A650];
	_ =	sdelay $0x2  }
0x1c6: {  	v2 =	vld [tilespmem:$0x1BDC0];
	_ =	sdelay $0x4  }
0x1c7: {  	[tilespmem:v1+s22+$0x0] =	vst.idx.add.f32.msk $0xffff, v2  }
0x1c8: {  	v1 =	vld [tilespmem:$0x1A660];
	_ =	sdelay $0x2  }
0x1c9: {  	v2 =	vld [tilespmem:$0x1BDD0];
	_ =	sdelay $0x4  }
0x1ca: {  	[tilespmem:v1+s22+$0x0] =	vst.idx.add.f32.msk $0xffff, v2  }
0x1cb: {  	v1 =	vld [tilespmem:$0x1A670];
	_ =	sdelay $0x2  }
0x1cc: {  	v2 =	vld [tilespmem:$0x1BDE0];
	_ =	sdelay $0x4  }
0x1cd: {  	[tilespmem:v1+s22+$0x0] =	vst.idx.add.f32.msk $0xffff, v2  }
0x1ce: {  	v1 =	vld [tilespmem:$0x1A680];
	_ =	sdelay $0x1  }
0x1cf: {  	s26 =	sadd.s32 $0x1, s26  }
0x1d0: {  	p0 =	sne.s32 s26, $0xC;
	v2 =	vld [tilespmem:$0x1BDF0]  }
.Ltmp5:
0x1d1: {  	_ = 	snop;
	(pc) =	sbr.rel @p0 .LBB2_4-.Ltmp5, $2  }
0x1d2: {  	_ =	sdelay $0x2  }
0x1d3: {  	[tilespmem:v1+s22+$0x0] =	vst.idx.add.f32.msk $0xffff, v2  }
0x1d4: {  	_ =	swait.ge [sflag:s21], $0x7D0  }
0x1d5: {  	[sflag:s21] =	ssyncset.done $0x0  }
0x1d6: {  	[sflag:s21] =	ssyncadd.s32 $0xFFFFF830  }
0x1d7: {  	_ =	swait.ge [sflag:s21], $0x7D0  }
0x1d8: {  	[sflag:s21] =	ssyncset.done $0x0  }
0x1d9: {  	[sflag:s21] =	ssyncadd.s32 $0xFFFFF830  }
0x1da: {  	_ =	swait.ge [sflag:s21], $0x7D0  }
0x1db: {  	[sflag:s21] =	ssyncset.done $0x0  }
0x1dc: {  	s0 =	simm.s32 $0x18770;
	[sflag:s21] =	ssyncadd.s32 $0xFFFFF830  }
0x1dd: {  	v1 =	vld [tilespmem:s0+$0xFFFFFFF0]  }
0x1de: {  	v2 =	vld [tilespmem:s0+$0xFFFFFFE0]  }
0x1df: {  	v3 =	vld [tilespmem:s0+$0x10]  }
0x1e0: {  	v6 =	vld [tilespmem:s0+$0x0];
	_ =	sdelay $0x1  }
0x1e1: {  	v4 =	vmul.f32 v1, v1;
	v5 =	vmul.f32 $5.000000000e-01, v1  }
0x1e2: {  	v7 =	vmul.f32 $6.944444500e-03, v1;
	v8 =	vmul.f32 v2, v2  }
0x1e3: {  	(erf) = vrcp.f32 v1;
	v10 =	vmul.f32 $6.944444500e-03, v2  }
0x1e4: {  	v14 =	vmul.f32 $5.000000000e-01, v3;
	v17 =	vmul.f32 v6, v6  }
0x1e5: {  	v18 =	vmul.f32 $5.000000000e-01, v2;
	v19 =	vmul.f32 $5.000000000e-01, v6  }
0x1e6: {  	v24 =	vmul.f32 $6.944444500e-03, v6;
	(erf) = vrcp.f32 v6  }
0x1e7: {  	v9 =	vadd.f32 $1.000000000e+00, v4;
	v4 =	vmul.f32 v3, v3;
	v8 =	vadd.f32 $1.000000000e+00, v8  }
0x1e8: {  	(erf) = vrcp.f32 v3;
	v18 =	vmin.f32 v18, $1.000000000e+00;
	v14 =	vmin.f32 v14, $1.000000000e+00  }
0x1e9: {  	v19 =	vmin.f32 v19, $1.000000000e+00;
	v21 =	vmul.f32 $1.500000000e+01, v18;
	v26 =	vmul.f32 $1.500000000e+01, v14  }
0x1ea: {  	v31 =	vmin.f32 v5, $1.000000000e+00;
	v50 =	vmul.f32 v19, v19;
	v28 =	vmul.f32 $1.500000000e+01, v19  }
0x1eb: {  	v17 =	vadd.f32 $1.000000000e+00, v17;
	v32 =	vmul.f32 v18, v18;
	v34 =	vmul.f32 $1.500000000e+01, v31  }
0x1ec: {  	v35 =	vmul.f32 v31, v31;
	v11 =	vmul.f32 $5.000000000e-01, v9;
	v12 =	vadd.f32 $1.000000000e+00, v4  }
0x1ed: {  	v4 =	vmul.f32 $6.944444500e-03, v3;
	v13 =	vshrl.u32 v9, $0x1;
	v15 =	vmul.f32 $5.000000000e-01, v8  }
0x1ee: {  	v16 =	vshrl.u32 v8, $0x1;
	v22 =	vmul.f32 $5.000000000e-01, v17;
	v30 =	vshrl.u32 v17, $0x1  }
0x1ef: {  	v16 =	vsub.s32 $0x5F3759DF, v16;
	v13 =	vsub.s32 $0x5F3759DF, v13;
	v33 =	vmul.f32 $6.000000000e+00, v50  }
0x1f0: {  	v19 =	vmul.f32 v50, v19;
	v20 =	vmul.f32 $5.000000000e-01, v12;
	v25 =	vshrl.u32 v12, $0x1  }
0x1f1: {  	v54 =	vmul.f32 $6.000000000e+00, v35;
	v15 =	vmul.f32 v16, v15;
	v25 =	vsub.s32 $0x5F3759DF, v25  }
0x1f2: {  	v30 =	vsub.s32 $0x5F3759DF, v30;
	v11 =	vmul.f32 v13, v11;
	v5 =	vmul.f32 v25, v20  }
0x1f3: {  	v21 =	vsub.f32 $1.000000000e+01, v21;
	v22 =	vmul.f32 v30, v22;
	v15 =	vmul.f32 v16, v15  }
0x1f4: {  	v53 =	vsub.f32 $1.000000000e+01, v34;
	v11 =	vmul.f32 v13, v11;
	v23 =	vpop (erf);
	v5 =	vmul.f32 v25, v5  }
0x1f5: {  	v22 =	vmul.f32 v30, v22;
	v7 =	vadd.f32 v7, v23;
	v23 =	vmul.f32 v14, v14  }
0x1f6: {  	(erf) = vrcp.f32 v2;
	v15 =	vsub.f32 $1.500000000e+00, v15;
	v51 =	vsub.f32 $1.500000000e+00, v5  }
0x1f7: {  	s31 =	simm.s32 $0x19710;
	v26 =	vsub.f32 $1.000000000e+01, v26;
	v27 =	vpop (erf);
	v11 =	vsub.f32 $1.500000000e+00, v11;
	v29 =	vmul.f32 $6.000000000e+00, v23  }
0x1f8: {  	s1 =	simm.s32 $0x1A6B0;
	v52 =	vld [tilespmem:s31+$0x10];
	v22 =	vsub.f32 $1.500000000e+00, v22;
	v20 =	vpop (erf);
	v15 =	vmul.f32 v16, v15;
	v16 =	vmul.f32 v25, v51  }
0x1f9: {  	v58 =	vld [tilespmem:s1+$0xFFFFFFE0];
	v4 =	vadd.f32 v4, v20;
	v20 =	vmul.f32 $6.000000000e+00, v32;
	v11 =	vmul.f32 v13, v11  }
0x1fa: {  	v55 =	vld [tilespmem:s1+$0x0];
	v24 =	vadd.f32 v24, v27;
	v13 =	vmul.f32 v35, v31;
	v12 =	vmul.f32 v16, v12  }
0x1fb: {  	v14 =	vmul.f32 v23, v14;
	v20 =	vadd.f32 v20, v21;
	v21 =	vld [tilespmem:s1+$0xFFFFFFF0];
	v9 =	vmul.f32 v11, v9  }
0x1fc: {  	v59 =	vld [tilespmem:s31+$0xFFFFFFE0];
	v7 =	vadd.f32 $-1.666666720e-01, v7;
	v8 =	vmul.f32 v15, v8;
	v12 =	vmul.f32 $6.944444500e-03, v12  }
0x1fd: {  	v56 =	vld [tilespmem:s31+$0x0];
	v22 =	vmul.f32 v30, v22;
	v25 =	vadd.f32 v54, v53;
	v9 =	vmul.f32 $6.944444500e-03, v9  }
0x1fe: {  	v5 =	vadd.f32 $-1.666666720e-01, v4;
	v23 =	vmul.f32 $6.944444500e-03, v8;
	v12 =	vadd.f32 v12, v16;
	v16 =	vld [tilespmem:s31+$0xFFFFFFF0]  }
0x1ff: {  	v60 =	vld [tilespmem:s1+$0x10];
	v26 =	vadd.f32 v29, v26;
	v13 =	vmul.f32 v25, v13;
	v57 =	vpop (erf);
	v11 =	vadd.f32 v9, v11  }
0x200: {  	v18 =	vmul.f32 v32, v18;
	v8 =	vld.idx.msk [tilespmem:v52+s6+$0x0], $0xffff;
	v15 =	vadd.f32 v23, v15;
	v10 =	vadd.f32 v10, v57  }
0x201: {  	v17 =	vmul.f32 v22, v17;
	v25 =	vsub.f32 $1.000000000e+00, v13;
	v13 =	vld.idx.msk [tilespmem:v58+s6+$0x0], $0xffff;
	v23 =	vadd.f32 $-1.666666720e-01, v11  }
0x202: {  	v18 =	vmul.f32 v20, v18;
	v11 =	vld.idx.msk [tilespmem:v55+s6+$0x0], $0xffff;
	v9 =	vadd.f32 $-1.666666720e-01, v10;
	v12 =	vadd.f32 $-1.666666720e-01, v12  }
0x203: {  	v14 =	vmul.f32 v26, v14;
	v10 =	vld.idx.msk [tilespmem:v21+s6+$0x0], $0xffff;
	v21 =	vsub.f32 $1.000000000e+01, v28;
	v23 =	vsub.f32 v23, v7  }
0x204: {  	v17 =	vmul.f32 $6.944444500e-03, v17;
	v63 =	vsub.f32 $1.000000000e+00, v18;
	v62 =	vadd.f32 $-1.666666720e-01, v15;
	v15 =	vld.idx.msk [tilespmem:v59+s6+$0x0], $0xffff  }
0x205: {  	v61 =	vsub.f32 v12, v5;
	v12 =	vld.idx.msk [tilespmem:v56+s6+$0x0], $0xffff;
	v20 =	vadd.f32 v33, v21;
	v21 =	vmul.f32 v23, v25  }
0x206: {  	vm0 =	vle.f32 v6, $1.200000000e+01;
	v26 =	vsub.f32 v62, v9;
	v23 =	vsub.f32 $1.000000000e+00, v14;
	v16 =	vld.idx.msk [tilespmem:v16+s6+$0x0], $0xffff  }
0x207: {  	s28 =	simm.s32 $0x1B650;
	s29 =	simm.s32 $0x0;
	s4 =	simm.s32 $0x187B0;
	v18 =	vld.idx.msk [tilespmem:v60+s6+$0x0], $0xffff;
	v19 =	vmul.f32 v20, v19;
	v14 =	vadd.f32 v21, v7;
	v7 =	vadd.f32 v17, v22  }
0x208: {  	s26 =	simm.s32 $0x1B650;
	s0 =	simm.s32 $0x19750;
	v4 =	vadd.f32 $-1.666666720e-01, v24;
	s1 =	simm.s32 $0x1A6F0;
	v17 =	vmul.f32 v61, v23;
	v20 =	vmul.f32 v26, v63  }
.LBB2_14:
0x209: {  	s29 =	sadd.s32 $0x4, s29;
	vm2 =	vle.f32 v1, $1.200000000e+01;
	v1 =	vld [tilespmem:s4+$0xFFFFFFF0];
	v6 =	vadd.f32 $-1.666666720e-01, v7;
	vm1 =	vle.f32 v3, $1.200000000e+01;
	s28 =	sadd.s32 $0x40, s28  }
0x20a: {  	v13 =	vmul.f32 v13, v15;
	v11 =	vmul.f32 v11, v12;
	v7 =	vld [tilespmem:s0+$0x10];
	p0 =	slt.u32 s29, $0x78;
	v9 =	vadd.f32 v20, v9  }
0x20b: {  	v12 =	vsub.f32 $1.000000000e+00, v19;
	v10 =	vmul.f32 v10, v16;
	v3 =	vld [tilespmem:s4+$0x10];
	v15 =	vsub.f32 v6, v4  }
0x20c: {  	vm3 =	vle.f32 v2, $1.200000000e+01;
	v8 =	vmul.f32 v18, v8;
	v9 =	vmul.f32 v9, v13;
	v2 =	vld [tilespmem:s4+$0xFFFFFFE0]  }
0x20d: {  	v5 =	vadd.f32 v17, v5;
	v10 =	vmul.f32 v14, v10;
	v6 =	vld [tilespmem:s4+$0x0];
	v12 =	vmul.f32 v15, v12  }
0x20e: {  	v13 =	vmul.f32 v1, v1;
	v14 =	vmul.f32 $5.000000000e-01, v1;
	v9 =	vnsel vm3, $0x0, v9  }
0x20f: {  	v5 =	vmul.f32 v5, v8;
	v15 =	vmul.f32 $6.944444500e-03, v1;
	[tilespmem:s26+$0xFFFFFFE0] =	vst v9;
	v9 =	vnsel vm2, $0x0, v10  }
0x210: {  	v4 =	vadd.f32 v12, v4;
	v8 =	vadd.f32 $1.000000000e+00, v13;
	v10 =	vmul.f32 v3, v3;
	[tilespmem:s26+$0xFFFFFFF0] =	vst v9  }
0x211: {  	v5 =	vnsel vm1, $0x0, v5;
	v9 =	vmul.f32 v2, v2;
	(erf) = vrcp.f32 v1  }
0x212: {  	v12 =	vmul.f32 $6.944444500e-03, v2;
	v13 =	vmul.f32 $5.000000000e-01, v8;
	v10 =	vadd.f32 $1.000000000e+00, v10;
	[tilespmem:s26+$0x10] =	vst v5  }
0x213: {  	v4 =	vmul.f32 v4, v11;
	v9 =	vadd.f32 $1.000000000e+00, v9;
	(erf) = vrcp.f32 v6  }
0x214: {  	v16 =	vmul.f32 $5.000000000e-01, v3;
	v11 =	vmul.f32 $6.944444500e-03, v3;
	v5 =	vshrl.u32 v8, $0x1  }
0x215: {  	v19 =	vmul.f32 v6, v6;
	v17 =	vshrl.u32 v9, $0x1;
	v18 =	vmul.f32 $5.000000000e-01, v9  }
0x216: {  	v20 =	vmul.f32 $5.000000000e-01, v2;
	v4 =	vnsel vm0, $0x0, v4;
	(erf) = vrcp.f32 v3  }
0x217: {  	v21 =	vmul.f32 $5.000000000e-01, v6;
	v22 =	vmul.f32 $5.000000000e-01, v10;
	v17 =	vsub.s32 $0x5F3759DF, v17;
	[tilespmem:s26+$0x0] =	vst v4;
	s26 =	smov.u32 s28  }
0x218: {  	v19 =	vadd.f32 $1.000000000e+00, v19;
	v4 =	vmin.f32 v20, $1.000000000e+00;
	v20 =	vsub.s32 $0x5F3759DF, v5  }
0x219: {  	v21 =	vmin.f32 v21, $1.000000000e+00;
	v5 =	vmul.f32 v17, v18;
	v18 =	vmul.f32 $1.500000000e+01, v4  }
0x21a: {  	v16 =	vmin.f32 v16, $1.000000000e+00;
	v23 =	vmul.f32 $5.000000000e-01, v19;
	v13 =	vmul.f32 v20, v13;
	v24 =	vpop (erf)  }
0x21b: {  	v25 =	vmul.f32 $6.944444500e-03, v6;
	v26 =	vshrl.u32 v10, $0x1  }
0x21c: {  	v27 =	vmul.f32 $1.500000000e+01, v16;
	v15 =	vadd.f32 v15, v24;
	v24 =	vmul.f32 v16, v16;
	v28 =	vpop (erf)  }
0x21d: {  	v29 =	vmul.f32 $1.500000000e+01, v21;
	v25 =	vadd.f32 v25, v28;
	v28 =	vmul.f32 v21, v21  }
0x21e: {  	v26 =	vsub.s32 $0x5F3759DF, v26;
	v18 =	vsub.f32 $1.000000000e+01, v18;
	v30 =	vmul.f32 $6.000000000e+00, v24  }
0x21f: {  	v31 =	vshrl.u32 v19, $0x1;
	v5 =	vmul.f32 v17, v5;
	v13 =	vmul.f32 v20, v13;
	v32 =	vpop (erf)  }
0x220: {  	v14 =	vmin.f32 v14, $1.000000000e+00;
	v22 =	vmul.f32 v26, v22;
	(erf) = vrcp.f32 v2  }
0x221: {  	v33 =	vmul.f32 v4, v4;
	v13 =	vsub.f32 $1.500000000e+00, v13;
	v34 =	vmul.f32 $6.000000000e+00, v28  }
0x222: {  	v35 =	vmul.f32 $1.500000000e+01, v14;
	v22 =	vmul.f32 v26, v22;
	v11 =	vadd.f32 v11, v32  }
0x223: {  	v31 =	vsub.s32 $0x5F3759DF, v31;
	v36 =	vmul.f32 $6.000000000e+00, v33;
	v32 =	vsub.f32 $1.500000000e+00, v5  }
0x224: {  	v37 =	vmul.f32 v14, v14;
	v22 =	vsub.f32 $1.500000000e+00, v22;
	v21 =	vmul.f32 v28, v21  }
0x225: {  	v23 =	vmul.f32 v31, v23;
	v28 =	vmul.f32 v33, v4;
	v5 =	vadd.f32 $-1.666666720e-01, v11  }
0x226: {  	v22 =	vmul.f32 v26, v22;
	v4 =	vadd.f32 $-1.666666720e-01, v25;
	v11 =	vmul.f32 v17, v32;
	v17 =	vld [tilespmem:s1+$0xFFFFFFF0]  }
0x227: {  	v14 =	vmul.f32 v37, v14;
	v18 =	vadd.f32 v36, v18;
	v13 =	vmul.f32 v20, v13;
	v20 =	vld [tilespmem:s1+$0x0]  }
0x228: {  	v26 =	vmul.f32 $6.000000000e+00, v37;
	v10 =	vmul.f32 v22, v10;
	v25 =	vsub.f32 $1.000000000e+01, v35;
	v32 =	vld [tilespmem:s0+$0x0]  }
0x229: {  	v35 =	vadd.f32 $-1.666666720e-01, v15;
	v15 =	vmul.f32 v31, v23;
	v8 =	vmul.f32 v13, v8;
	v33 =	vld [tilespmem:s1+$0xFFFFFFE0];
	v23 =	vpop (erf)  }
0x22a: {  	v27 =	vsub.f32 $1.000000000e+01, v27;
	v10 =	vmul.f32 $6.944444500e-03, v10;
	v9 =	vmul.f32 v11, v9;
	v36 =	vld [tilespmem:s0+$0xFFFFFFE0]  }
0x22b: {  	v25 =	vadd.f32 v26, v25;
	v8 =	vmul.f32 $6.944444500e-03, v8;
	v12 =	vadd.f32 v12, v23;
	v23 =	vld [tilespmem:s0+$0xFFFFFFF0]  }
0x22c: {  	v16 =	vmul.f32 v24, v16;
	v15 =	vsub.f32 $1.500000000e+00, v15;
	v22 =	vadd.f32 v10, v22;
	v26 =	vld [tilespmem:s1+$0x10]  }
0x22d: {  	v13 =	vadd.f32 v8, v13;
	v24 =	vmul.f32 $6.944444500e-03, v9;
	v8 =	vld.idx.msk [tilespmem:v7+s6+$0x0], $0xffff;
	v7 =	vadd.f32 v30, v27  }
0x22e: {  	v14 =	vmul.f32 v25, v14;
	v9 =	vadd.f32 $-1.666666720e-01, v12;
	v10 =	vld.idx.msk [tilespmem:v17+s6+$0x0], $0xffff;
	v17 =	vadd.f32 $-1.666666720e-01, v22  }
0x22f: {  	v22 =	vadd.f32 v24, v11;
	v24 =	vadd.f32 $-1.666666720e-01, v13;
	v11 =	vld.idx.msk [tilespmem:v20+s6+$0x0], $0xffff;
	v20 =	vmul.f32 v31, v15  }
0x230: {  	v25 =	vsub.f32 $1.000000000e+01, v29;
	v7 =	vmul.f32 v7, v16;
	v12 =	vld.idx.msk [tilespmem:v32+s6+$0x0], $0xffff;
	v17 =	vsub.f32 v17, v5  }
0x231: {  	v14 =	vsub.f32 $1.000000000e+00, v14;
	v24 =	vsub.f32 v24, v35;
	v13 =	vld.idx.msk [tilespmem:v33+s6+$0x0], $0xffff;
	v19 =	vmul.f32 v20, v19  }
.Ltmp6:
0x232: {  	v18 =	vmul.f32 v18, v28;
	v25 =	vadd.f32 v34, v25;
	v22 =	vadd.f32 $-1.666666720e-01, v22;
	v15 =	vld.idx.msk [tilespmem:v36+s6+$0x0], $0xffff;
	(pc) =	sbr.rel @p0 .LBB2_14-.Ltmp6, $4  }
0x233: {  	v14 =	vmul.f32 v24, v14;
	v24 =	vsub.f32 $1.000000000e+00, v7;
	v16 =	vld.idx.msk [tilespmem:v23+s6+$0x0], $0xffff;
	v23 =	vmul.f32 $6.944444500e-03, v19  }
0x234: {  	v27 =	vsub.f32 $1.000000000e+00, v18;
	v22 =	vsub.f32 v22, v9;
	v19 =	vmul.f32 v25, v21;
	v18 =	vld.idx.msk [tilespmem:v26+s6+$0x0], $0xffff  }
0x235: {  	v14 =	vadd.f32 v14, v35;
	v17 =	vmul.f32 v17, v24;
	v7 =	vadd.f32 v23, v20  }
0x236: {  	s4 =	sadd.s32 $0x40, s4;
	vm0 =	vle.f32 v6, $1.200000000e+01;
	s0 =	sadd.s32 $0x40, s0;
	s1 =	sadd.s32 $0x40, s1;
	v20 =	vmul.f32 v22, v27  }
0x237: {  	v6 =	vadd.f32 $-1.666666720e-01, v7;
	_ =	sdelay $0x1  }
0x238: {  	v49 =	vsub.f32 $1.000000000e+00, v19;
	v6 =	vsub.f32 v6, v4  }
0x239: {  	v13 =	vmul.f32 v13, v15;
	v11 =	vmul.f32 v11, v12;
	v9 =	vadd.f32 v20, v9  }
0x23a: {  	v10 =	vmul.f32 v10, v16;
	v6 =	vmul.f32 v6, v49  }
0x23b: {  	v5 =	vadd.f32 v17, v5;
	v8 =	vmul.f32 v18, v8;
	v50 =	vmul.f32 v9, v13  }
0x23c: {  	vm1 =	vle.f32 v2, $1.200000000e+01;
	v2 =	vmul.f32 v14, v10;
	v51 =	vadd.f32 v6, v4  }
0x23d: {  	vm2 =	vle.f32 v1, $1.200000000e+01;
	v5 =	vmul.f32 v5, v8;
	v1 =	vnsel vm1, $0x0, v50  }
0x23e: {  	vm14 =	vle.f32 v3, $1.200000000e+01;
	[tilespmem:s26+$0xFFFFFFE0] =	vst v1;
	v1 =	vnsel vm2, $0x0, v2;
	v2 =	vmul.f32 v51, v11  }
0x23f: {  	[tilespmem:s26+$0xFFFFFFF0] =	vst v1;
	v1 =	vnsel vm14, $0x0, v5  }
0x240: {  	[tilespmem:s26+$0x10] =	vst v1;
	v1 =	vnsel vm0, $0x0, v2  }
0x241: {  	[tilespmem:s26+$0x0] =	vst v1  }
0x242: {  	v1 =	vld [tilespmem:$0x18F10];
	_ =	sdelay $0x4  }
0x243: {  	v2 =	vmul.f32 v1, v1;
	_ =	sdelay $0x1  }
0x244: {  	v2 =	vadd.f32 $1.000000000e+00, v2;
	_ =	sdelay $0x1  }
0x245: {  	v3 =	vshrl.u32 v2, $0x1;
	v52 =	vmul.f32 $5.000000000e-01, v2  }
0x246: {  	v3 =	vsub.s32 $0x5F3759DF, v3  }
0x247: {  	v4 =	vmul.f32 v3, v52  }
0x248: {  	(erf) = vrcp.f32 v1  }
0x249: {  	v4 =	vmul.f32 v3, v4;
	_ =	sdelay $0x1  }
0x24a: {  	v53 =	vmul.f32 $5.000000000e-01, v1;
	v4 =	vsub.f32 $1.500000000e+00, v4;
	_ =	sdelay $0x1  }
0x24b: {  	v54 =	vld [tilespmem:$0x19EB0];
	v3 =	vmul.f32 v3, v4;
	v4 =	vmin.f32 v53, $1.000000000e+00  }
0x24c: {  	v55 =	vld [tilespmem:$0x1AE50];
	v56 =	vmul.f32 v4, v4  }
0x24d: {  	v57 =	vmul.f32 $-1.500000000e+01, v4;
	v2 =	vmul.f32 v3, v2  }
0x24e: {  	v58 =	vmul.f32 $6.944444500e-03, v1  }
0x24f: {  	v59 =	vpop (erf);
	v8 =	vadd.f32 $1.000000000e+01, v57;
	v60 =	vmul.f32 $6.000000000e+00, v56;
	v2 =	vmul.f32 $6.944444500e-03, v2  }
0x250: {  	v9 =	vadd.f32 v58, v59  }
0x251: {  	v61 =	vadd.f32 v60, v8;
	v2 =	vadd.f32 v2, v3;
	v3 =	vmul.f32 v56, v4;
	_ =	sdelay $0x1  }
0x252: {  	v5 =	vld.idx.msk [tilespmem:v54+s6+$0x0], $0xffff;
	v62 =	vadd.f32 $-1.666666720e-01, v9;
	v2 =	vadd.f32 $-1.666666720e-01, v2;
	v3 =	vmul.f32 v61, v3  }
0x253: {  	v63 =	vld.idx.msk [tilespmem:v55+s6+$0x0], $0xffff  }
0x254: {  	v3 =	vsub.f32 $1.000000000e+00, v3;
	v2 =	vsub.f32 v2, v62;
	_ =	sdelay $0x1  }
0x255: {  	v2 =	vmul.f32 v2, v3;
	_ =	sdelay $0x1  }
0x256: {  	v3 =	vmul.f32 v63, v5;
	v2 =	vadd.f32 v2, v62;
	_ =	sdelay $0x1  }
0x257: {  	v2 =	vmul.f32 v2, v3  }
0x258: {  	vm15 =	vle.f32 v1, $1.200000000e+01  }
0x259: {  	v1 =	vnsel vm15, $0x0, v2  }
0x25a: {  	s0 =	simm.s32 $0xFFFFFFF8;
	s1 =	simm.s32 $0x19730;
	s4 =	simm.s32 $0x1B670;
	[tilespmem:$0x1BDF0] =	vst v1  }
.LBB2_16:
0x25b: {  	v1 =	vld [tilespmem:s1+$0xFFFFFFC0];
	_ =	sdelay $0x2  }
0x25c: {  	v2 =	vld [tilespmem:s4+$0xFFFFFFC0];
	_ =	sdelay $0x4  }
0x25d: {  	[tilespmem:v1+s22+$0x0] =	vst.idx.add.f32.msk $0xffff, v2  }
0x25e: {  	v1 =	vld [tilespmem:s1+$0xFFFFFFD0];
	_ =	sdelay $0x2  }
0x25f: {  	v2 =	vld [tilespmem:s4+$0xFFFFFFD0];
	_ =	sdelay $0x4  }
0x260: {  	[tilespmem:v1+s22+$0x0] =	vst.idx.add.f32.msk $0xffff, v2  }
0x261: {  	v1 =	vld [tilespmem:s1+$0xFFFFFFE0];
	_ =	sdelay $0x2  }
0x262: {  	v2 =	vld [tilespmem:s4+$0xFFFFFFE0];
	_ =	sdelay $0x4  }
0x263: {  	[tilespmem:v1+s22+$0x0] =	vst.idx.add.f32.msk $0xffff, v2  }
0x264: {  	v1 =	vld [tilespmem:s1+$0xFFFFFFF0];
	_ =	sdelay $0x2  }
0x265: {  	v2 =	vld [tilespmem:s4+$0xFFFFFFF0];
	_ =	sdelay $0x4  }
0x266: {  	[tilespmem:v1+s22+$0x0] =	vst.idx.add.f32.msk $0xffff, v2  }
0x267: {  	v1 =	vld [tilespmem:s1+$0x0];
	_ =	sdelay $0x2  }
0x268: {  	v2 =	vld [tilespmem:s4+$0x0];
	_ =	sdelay $0x4  }
0x269: {  	[tilespmem:v1+s22+$0x0] =	vst.idx.add.f32.msk $0xffff, v2  }
0x26a: {  	v1 =	vld [tilespmem:s1+$0x10];
	_ =	sdelay $0x2  }
0x26b: {  	v2 =	vld [tilespmem:s4+$0x10];
	_ =	sdelay $0x4  }
0x26c: {  	[tilespmem:v1+s22+$0x0] =	vst.idx.add.f32.msk $0xffff, v2  }
0x26d: {  	v1 =	vld [tilespmem:s1+$0x20];
	_ =	sdelay $0x2  }
0x26e: {  	v2 =	vld [tilespmem:s4+$0x20];
	_ =	sdelay $0x4  }
0x26f: {  	[tilespmem:v1+s22+$0x0] =	vst.idx.add.f32.msk $0xffff, v2  }
0x270: {  	v1 =	vld [tilespmem:s1+$0x30];
	_ =	sdelay $0x1  }
0x271: {  	s0 =	sadd.s32 $0x8, s0  }
0x272: {  	p0 =	slt.u32 s0, $0x70;
	v2 =	vld [tilespmem:s4+$0x30]  }
.Ltmp7:
0x273: {  	_ = 	snop;
	(pc) =	sbr.rel @p0 .LBB2_16-.Ltmp7, $2  }
0x274: {  	_ =	sdelay $0x2  }
0x275: {  	s1 =	sadd.s32 $0x80, s1;
	s4 =	sadd.s32 $0x80, s4;
	[tilespmem:v1+s22+$0x0] =	vst.idx.add.f32.msk $0xffff, v2  }
0x276: {  	v1 =	vld [tilespmem:$0x19E70];
	_ =	sdelay $0x2  }
0x277: {  	v2 =	vld [tilespmem:$0x1BDB0];
	_ =	sdelay $0x4  }
0x278: {  	[tilespmem:v1+s22+$0x0] =	vst.idx.add.f32.msk $0xffff, v2  }
0x279: {  	v1 =	vld [tilespmem:$0x19E80];
	_ =	sdelay $0x2  }
0x27a: {  	v2 =	vld [tilespmem:$0x1BDC0];
	_ =	sdelay $0x4  }
0x27b: {  	[tilespmem:v1+s22+$0x0] =	vst.idx.add.f32.msk $0xffff, v2  }
0x27c: {  	v1 =	vld [tilespmem:$0x19E90];
	_ =	sdelay $0x2  }
0x27d: {  	v2 =	vld [tilespmem:$0x1BDD0];
	_ =	sdelay $0x4  }
0x27e: {  	[tilespmem:v1+s22+$0x0] =	vst.idx.add.f32.msk $0xffff, v2  }
0x27f: {  	v1 =	vld [tilespmem:$0x19EA0];
	_ =	sdelay $0x2  }
0x280: {  	v2 =	vld [tilespmem:$0x1BDE0];
	_ =	sdelay $0x4  }
0x281: {  	[tilespmem:v1+s22+$0x0] =	vst.idx.add.f32.msk $0xffff, v2  }
0x282: {  	v1 =	vld [tilespmem:$0x19EB0];
	_ =	sdelay $0x2  }
0x283: {  	v2 =	vld [tilespmem:$0x1BDF0];
	_ =	sdelay $0x2  }
0x284: {  	s25 =	sadd.s32 $0x1, s25  }
0x285: {  	p0 =	sne.s32 s25, s13  }
.Ltmp8:
0x286: {  	[tilespmem:v1+s22+$0x0] =	vst.idx.add.f32.msk $0xffff, v2;
	(pc) =	sbr.rel @p0 .LBB2_1-.Ltmp8, $4  }
0x287: {  	[hbm4b:s12+s6] =	stream.linear.scatter [tilespmem:s22], [sflag:$0x4], $0xC400, $0x38;
	[tilespmem:$0x1BE00] =	vst v63  }
0x288: {  	_ =	swait.ge [sflag:s24], $0xC400  }
0x289: {  	[sflag:s24] =	ssyncset.done $0x0  }
0x28a: {  	[sflag:s24] =	ssyncadd.s32 $0xFFFF3C00  }
0x28b: {  	_ =	sfence.sel $0x180000  }
0x28c: {  	[bflag:$0x0] =	sbarrier.arrive $0xFFFF  }
0x28d: {  	_ =	strace $0x90000047  }
0x28e: {  	s0 =	stileid.u32;
	[bflag:$0x2] =	sbarrier.arrive $0xFFFF  }
0x28f: {  	p0 =	sne.s32 s0, $0x0;
	s0 =	rddreg [dreg:$0x5]  }
0x290: {  	s0 =	sadd.s32 @!p0 $0x100000, s0  }
0x291: {  	[sflag:s0] =	ssyncadd.tile.s32 @!p0 $0x1;
	_ =	shalt  }
.Lfunc_end2:
_tile_overlayer_lowered:
.L_overlay_start_2:
0x292: {  	(tag) =	ssettag $0x2  }
0x293: {  	s0 =	rddreg [dreg:$0x0];
	s2 =	stileid.u32  }
0x294: {  	s1 =	rddreg [dreg:$0x1];
	p0 =	sne.s32 s2, $0x0  }
0x295: {  	s3 =	rddreg [dreg:$0x2];
	[bflag:$0x3] =	sbarrier.arrive $0xFFFF;
	s2 =	simm.s32 @!p0 $0x1C04  }
0x296: {  	[timem:s3], [sflag:s2] =	dma.local @!p0 [hbm:s0], s1  }
0x297: {  	s0 =	simm.s32 @!p0 $0x4  }
0x298: {  	_ =	swait.ge @!p0 [sflag:s0], s1  }
0x299: {  	s1 =	ssub.s32 @!p0 $0x0, s1;
	[sflag:s0] =	ssyncset.done @!p0 $0x0  }
0x29a: {  	[sflag:s0] =	ssyncadd.s32 @!p0 s1  }
0x29b: {  	[bflag:$0x3] =	sbarrier.arrive $0xFFFF  }
0x29c: {  	_ =	shalt  }

</sc_bundles>
